<compile_context>
chip_gen: v7x
topology: tpu7x:2x2x1
jax: 0.10.2.dev20260603
libtpu: 0.0.44.dev20260713+nightly
codegen_flags: <defaults>
</compile_context>

<pallas_src>
import functools

import jax
import jax.numpy as jnp
from jax.experimental import pallas as pl

_TOPK = 512
_RB = 512
_NSPLIT = 1


def _select_body(x_ref, ev_ref, evals_ref, o_ref, *, k):
    ev = ev_ref[0]
    h = jax.lax.dot_general(
        x_ref[...], ev,
        dimension_numbers=(((1,), (1,)), ((), ())),
        preferred_element_type=jnp.float32,
    )
    hv = evals_ref[0, 0][None, :] * h * h
    abits = jax.lax.bitcast_convert_type(jnp.abs(hv), jnp.int32)
    rows = abits.shape[0]
    hi = (abits >> 16).astype(jnp.int16)
    lanes = 128
    nchunk = hi.shape[1] // lanes

    def count16(ind16):
        acc = ind16[:, :lanes]
        for j in range(1, nchunk):
            acc = acc + ind16[:, j * lanes:(j + 1) * lanes]
        return jnp.sum(acc.astype(jnp.int32), axis=1, keepdims=True)

    t_hi = jnp.zeros((rows, 1), jnp.int32)
    for bit in range(14, -1, -1):
        cand = t_hi | (1 << bit)
        ind = (hi >= cand.astype(jnp.int16)).astype(jnp.int16)
        t_hi = jnp.where(count16(ind) >= k, cand, t_hi)
    t_hi16 = t_hi.astype(jnp.int16)
    in_band = hi == t_hi16
    n_above = count16((hi > t_hi16).astype(jnp.int16))
    m = k - n_above
    lo_s = abits.astype(jnp.int16) ^ jnp.int16(-32768)
    key = jnp.where(in_band, lo_s, jnp.int16(-32768))
    t_lo = jnp.zeros((rows, 1), jnp.int32)
    for bit in range(15, 12, -1):
        cand = t_lo | (1 << bit)
        cand_s16 = (cand - 32768).astype(jnp.int16)
        ind = (key >= cand_s16).astype(jnp.int16)
        t_lo = jnp.where(count16(ind) >= m, cand, t_lo)
    t = (t_hi << 16) | t_lo
    o_ref[...] = jnp.where(abits >= t, hv, 0.0)


def kernel(x, eigvals, eigvecs):
    B, D = x.shape
    C, EIG, _ = eigvecs.shape
    k = min(_TOPK, EIG)
    rb = min(_RB, B // _NSPLIT)
    grid = (C, B // _NSPLIT // rb)
    chunk = B // _NSPLIT
    call = pl.pallas_call(
        functools.partial(_select_body, k=k),
        grid=grid,
        in_specs=[
            pl.BlockSpec((rb, D), lambda c, b: (b, 0)),
            pl.BlockSpec((1, EIG, D), lambda c, b: (c, 0, 0)),
            pl.BlockSpec((1, 1, EIG), lambda c, b: (c, 0, 0)),
        ],
        out_specs=pl.BlockSpec((rb, EIG), lambda c, b: (b, c)),
        out_shape=jax.ShapeDtypeStruct((chunk, C * EIG), jnp.float32),
    )
    evals3 = eigvals.reshape(C, 1, EIG)
    parts = [
        call(x[i * chunk:(i + 1) * chunk], eigvecs, evals3)
        .reshape(chunk, C, EIG)
        for i in range(_NSPLIT)
    ]
    return jnp.concatenate(parts, axis=0)

# --- scband reference (transcript-rebuilt; emitter-appended) ---
"""Pipeline reference for scband-eig-layer-62783831933349 (READ-ONLY COPY).

The authoritative reference and input builder live on the scoring server;
editing this copy changes nothing except your own understanding.
"""

import jax, jax.numpy as jnp
import numpy as np

B, C, EIG, D = 4096, 16, 1024, 1024
TOPK = 512
TOPK_BY_CLASS = True


def setup_inputs(seed: int = 0) -> dict:
    key = jax.random.key(seed)
    k1, k2, k3 = jax.random.split(key, 3)
    x = jax.random.normal(k1, (B, D), dtype=jnp.float32)
    eigvals = jax.random.normal(k2, (C, EIG), dtype=jnp.float32)
    eigvecs = jax.random.normal(k3, (C, EIG, D), dtype=jnp.float32) / np.sqrt(D)
    return {"x": x, "eigvals": eigvals, "eigvecs": eigvecs}


def _apply_topk(x, topk, topk_by_class):
    # x: [B, C, EIG]
    shape = x.shape
    if topk_by_class:
        xf = x.reshape(shape[0], shape[1], -1)
        k = min(topk, xf.shape[-1])
        _, indices = jax.lax.top_k(jnp.abs(xf), k)
        values = jnp.take_along_axis(xf, indices, axis=-1)
        b = jnp.arange(xf.shape[0])[:, None, None]
        c = jnp.arange(xf.shape[1])[None, :, None]
        y = jnp.zeros_like(xf).at[b, c, indices].set(values)
    else:
        xf = x.reshape(shape[0], -1)
        k = min(topk, xf.shape[-1])
        _, indices = jax.lax.top_k(jnp.abs(xf), k)
        values = jnp.take_along_axis(xf, indices, axis=-1)
        b = jnp.arange(xf.shape[0])[:, None]
        y = jnp.zeros_like(xf).at[b, indices].set(values)
    return y.reshape(shape)


def reference(x, eigvals, eigvecs):
    # einsum(eigvecs, x, '... eig d_model, batch d_model -> batch ... eig')
    h = jnp.einsum('ced,bd->bce', eigvecs, x)
    h = h ** 2
    h = eigvals[None, :, :] * h
    h = _apply_topk(h, TOPK, TOPK_BY_CLASS)
    return h

if __name__ == "__main__":
    import jax
    _d = setup_inputs()
    print(jax.jit(kernel)(*tuple(_d.values())))

</pallas_src>

<mosaic_0001>
module attributes {stable_mosaic.version = 14 : i64} {
  func.func @_select_body(%arg0: i32, %arg1: i32, %arg2: memref<512x1024xf32, #tpu.memory_space<vmem>>, %arg3: memref<1x1024x1024xf32, #tpu.memory_space<vmem>>, %arg4: memref<1x1x1024xf32, #tpu.memory_space<vmem>>, %arg5: memref<512x1024xf32, #tpu.memory_space<vmem>>) attributes {dimension_semantics = [#tpu.dimension_semantics<arbitrary>, #tpu.dimension_semantics<arbitrary>], iteration_bounds = array<i64: 16, 8>, scalar_prefetch = 0 : i64, scratch_operands = 0 : i64, tpu.core_type = #tpu.core_type<tc>, window_params = [{transform_indices = @transform_0, window_bounds = array<i64: 512, 1024>}, {transform_indices = @transform_1, window_bounds = array<i64: 1, 1024, 1024>}, {transform_indices = @transform_2, window_bounds = array<i64: 1, 1, 1024>}, {transform_indices = @transform_3, window_bounds = array<i64: 512, 1024>}]} {
    %get3A = arith.constant 0 : index
    %get3A_0 = arith.constant 0 : index
    %get3A_1 = arith.constant 0 : index
    %get3A_2 = vector.load %arg3[%get3A, %get3A_0, %get3A_1] : memref<1x1024x1024xf32, #tpu.memory_space<vmem>>, vector<1x1024x1024xf32>
    %get3A_3 = vector.shape_cast %get3A_2 : vector<1x1024x1024xf32> to vector<1024x1024xf32>
    %get3A_4 = arith.constant 0 : index
    %get3A_5 = arith.constant 0 : index
    %get3A_6 = vector.load %arg2[%get3A_4, %get3A_5] : memref<512x1024xf32, #tpu.memory_space<vmem>>, vector<512x1024xf32>
    %dot_general3A = arith.constant dense<0.000000e+00> : vector<512x1024xf32>
    %dot_general3A_7 = tpu.matmul %get3A_6, %get3A_3, %dot_general3A {dimension_numbers = #tpu.dot_dimension_numbers<[1], [1], [0], [0], [0, 0, 1, 0], [], []>, transpose_lhs_hint = false} : vector<512x1024xf32>, vector<1024x1024xf32>, vector<512x1024xf32> -> vector<512x1024xf32>
    %get3A_8 = arith.constant 0 : index
    %get3A_9 = arith.constant 0 : index
    %get3A_10 = arith.constant 0 : index
    %get3A_11 = vector.load %arg4[%get3A_8, %get3A_9, %get3A_10] : memref<1x1x1024xf32, #tpu.memory_space<vmem>>, vector<1x1x1024xf32>
    %get3A_12 = vector.shape_cast %get3A_11 : vector<1x1x1024xf32> to vector<1024xf32>
    %broadcast_in_dim3A = vector.shape_cast %get3A_12 : vector<1024xf32> to vector<1x1024xf32>
    %mul3A = vector.broadcast %broadcast_in_dim3A : vector<1x1024xf32> to vector<512x1024xf32>
    %mul3A_13 = arith.mulf %mul3A, %dot_general3A_7 : vector<512x1024xf32>
    %mul3A_14 = arith.mulf %mul3A_13, %dot_general3A_7 : vector<512x1024xf32>
    %abs3A = math.absf %mul3A_14 : vector<512x1024xf32>
    %bitcast_convert_type3A = tpu.bitcast %abs3A : vector<512x1024xf32> -> vector<512x1024xi32>
    %shift_right_arithmetic3A = arith.constant 16 : i32
    %shift_right_arithmetic3A_15 = vector.broadcast %shift_right_arithmetic3A : i32 to vector<512x1024xi32>
    %shift_right_arithmetic3A_16 = arith.shrsi %bitcast_convert_type3A, %shift_right_arithmetic3A_15 : vector<512x1024xi32>
    %convert_element_type3A = arith.trunci %shift_right_arithmetic3A_16 : vector<512x1024xi32> to vector<512x1024xi16>
    %broadcast_in_dim3A_17 = arith.constant 0 : i32
    %broadcast_in_dim3A_18 = vector.broadcast %broadcast_in_dim3A_17 : i32 to vector<512x1xi32>
    %or3A = arith.constant 16384 : i32
    %or3A_19 = vector.broadcast %or3A : i32 to vector<512x1xi32>
    %or3A_20 = arith.ori %broadcast_in_dim3A_18, %or3A_19 : vector<512x1xi32>
    %convert_element_type3A_21 = arith.trunci %or3A_20 : vector<512x1xi32> to vector<512x1xi16>
    %ge3A = vector.broadcast %convert_element_type3A_21 : vector<512x1xi16> to vector<512x1024xi16>
    %ge3A_22 = arith.cmpi sge, %convert_element_type3A, %ge3A : vector<512x1024xi16>
    %convert_element_type3A_23 = arith.extui %ge3A_22 : vector<512x1024xi1> to vector<512x1024xi16>
    %slice3A = vector.extract_strided_slice %convert_element_type3A_23 {offsets = [0, 0], sizes = [512, 128], strides = [1, 1]} : vector<512x1024xi16> to vector<512x128xi16>
    %slice3A_24 = vector.extract_strided_slice %convert_element_type3A_23 {offsets = [0, 128], sizes = [512, 128], strides = [1, 1]} : vector<512x1024xi16> to vector<512x128xi16>
    %add3A = arith.addi %slice3A, %slice3A_24 : vector<512x128xi16>
    %slice3A_25 = vector.extract_strided_slice %convert_element_type3A_23 {offsets = [0, 256], sizes = [512, 128], strides = [1, 1]} : vector<512x1024xi16> to vector<512x128xi16>
    %add3A_26 = arith.addi %add3A, %slice3A_25 : vector<512x128xi16>
    %slice3A_27 = vector.extract_strided_slice %convert_element_type3A_23 {offsets = [0, 384], sizes = [512, 128], strides = [1, 1]} : vector<512x1024xi16> to vector<512x128xi16>
    %add3A_28 = arith.addi %add3A_26, %slice3A_27 : vector<512x128xi16>
    %slice3A_29 = vector.extract_strided_slice %convert_element_type3A_23 {offsets = [0, 512], sizes = [512, 128], strides = [1, 1]} : vector<512x1024xi16> to vector<512x128xi16>
    %add3A_30 = arith.addi %add3A_28, %slice3A_29 : vector<512x128xi16>
    %slice3A_31 = vector.extract_strided_slice %convert_element_type3A_23 {offsets = [0, 640], sizes = [512, 128], strides = [1, 1]} : vector<512x1024xi16> to vector<512x128xi16>
    %add3A_32 = arith.addi %add3A_30, %slice3A_31 : vector<512x128xi16>
    %slice3A_33 = vector.extract_strided_slice %convert_element_type3A_23 {offsets = [0, 768], sizes = [512, 128], strides = [1, 1]} : vector<512x1024xi16> to vector<512x128xi16>
    %add3A_34 = arith.addi %add3A_32, %slice3A_33 : vector<512x128xi16>
    %slice3A_35 = vector.extract_strided_slice %convert_element_type3A_23 {offsets = [0, 896], sizes = [512, 128], strides = [1, 1]} : vector<512x1024xi16> to vector<512x128xi16>
    %add3A_36 = arith.addi %add3A_34, %slice3A_35 : vector<512x128xi16>
    %convert_element_type3A_37 = arith.extsi %add3A_36 : vector<512x128xi16> to vector<512x128xi32>
    %reduce_sum3A = arith.constant dense<0> : vector<512xi32>
    %reduce_sum3A_38 = vector.multi_reduction <add>, %convert_element_type3A_37, %reduce_sum3A [1] : vector<512x128xi32> to vector<512xi32>
    %broadcast_in_dim3A_39 = vector.shape_cast %reduce_sum3A_38 : vector<512xi32> to vector<512x1xi32>
    %ge3A_40 = arith.constant 512 : i32
    %ge3A_41 = vector.broadcast %ge3A_40 : i32 to vector<512x1xi32>
    %ge3A_42 = arith.cmpi sge, %broadcast_in_dim3A_39, %ge3A_41 : vector<512x1xi32>
    %select_n3A = arith.select %ge3A_42, %or3A_20, %broadcast_in_dim3A_18 : vector<512x1xi1>, vector<512x1xi32>
    %or3A_43 = arith.constant 8192 : i32
    %or3A_44 = vector.broadcast %or3A_43 : i32 to vector<512x1xi32>
    %or3A_45 = arith.ori %select_n3A, %or3A_44 : vector<512x1xi32>
    %convert_element_type3A_46 = arith.trunci %or3A_45 : vector<512x1xi32> to vector<512x1xi16>
    %ge3A_47 = vector.broadcast %convert_element_type3A_46 : vector<512x1xi16> to vector<512x1024xi16>
    %ge3A_48 = arith.cmpi sge, %convert_element_type3A, %ge3A_47 : vector<512x1024xi16>
    %convert_element_type3A_49 = arith.extui %ge3A_48 : vector<512x1024xi1> to vector<512x1024xi16>
    %slice3A_50 = vector.extract_strided_slice %convert_element_type3A_49 {offsets = [0, 0], sizes = [512, 128], strides = [1, 1]} : vector<512x1024xi16> to vector<512x128xi16>
    %slice3A_51 = vector.extract_strided_slice %convert_element_type3A_49 {offsets = [0, 128], sizes = [512, 128], strides = [1, 1]} : vector<512x1024xi16> to vector<512x128xi16>
    %add3A_52 = arith.addi %slice3A_50, %slice3A_51 : vector<512x128xi16>
    %slice3A_53 = vector.extract_strided_slice %convert_element_type3A_49 {offsets = [0, 256], sizes = [512, 128], strides = [1, 1]} : vector<512x1024xi16> to vector<512x128xi16>
    %add3A_54 = arith.addi %add3A_52, %slice3A_53 : vector<512x128xi16>
    %slice3A_55 = vector.extract_strided_slice %convert_element_type3A_49 {offsets = [0, 384], sizes = [512, 128], strides = [1, 1]} : vector<512x1024xi16> to vector<512x128xi16>
    %add3A_56 = arith.addi %add3A_54, %slice3A_55 : vector<512x128xi16>
    %slice3A_57 = vector.extract_strided_slice %convert_element_type3A_49 {offsets = [0, 512], sizes = [512, 128], strides = [1, 1]} : vector<512x1024xi16> to vector<512x128xi16>
    %add3A_58 = arith.addi %add3A_56, %slice3A_57 : vector<512x128xi16>
    %slice3A_59 = vector.extract_strided_slice %convert_element_type3A_49 {offsets = [0, 640], sizes = [512, 128], strides = [1, 1]} : vector<512x1024xi16> to vector<512x128xi16>
    %add3A_60 = arith.addi %add3A_58, %slice3A_59 : vector<512x128xi16>
    %slice3A_61 = vector.extract_strided_slice %convert_element_type3A_49 {offsets = [0, 768], sizes = [512, 128], strides = [1, 1]} : vector<512x1024xi16> to vector<512x128xi16>
    %add3A_62 = arith.addi %add3A_60, %slice3A_61 : vector<512x128xi16>
    %slice3A_63 = vector.extract_strided_slice %convert_element_type3A_49 {offsets = [0, 896], sizes = [512, 128], strides = [1, 1]} : vector<512x1024xi16> to vector<512x128xi16>
    %add3A_64 = arith.addi %add3A_62, %slice3A_63 : vector<512x128xi16>
    %convert_element_type3A_65 = arith.extsi %add3A_64 : vector<512x128xi16> to vector<512x128xi32>
    %reduce_sum3A_66 = arith.constant dense<0> : vector<512xi32>
    %reduce_sum3A_67 = vector.multi_reduction <add>, %convert_element_type3A_65, %reduce_sum3A_66 [1] : vector<512x128xi32> to vector<512xi32>
    %broadcast_in_dim3A_68 = vector.shape_cast %reduce_sum3A_67 : vector<512xi32> to vector<512x1xi32>
    %ge3A_69 = arith.constant 512 : i32
    %ge3A_70 = vector.broadcast %ge3A_69 : i32 to vector<512x1xi32>
    %ge3A_71 = arith.cmpi sge, %broadcast_in_dim3A_68, %ge3A_70 : vector<512x1xi32>
    %select_n3A_72 = arith.select %ge3A_71, %or3A_45, %select_n3A : vector<512x1xi1>, vector<512x1xi32>
    %or3A_73 = arith.constant 4096 : i32
    %or3A_74 = vector.broadcast %or3A_73 : i32 to vector<512x1xi32>
    %or3A_75 = arith.ori %select_n3A_72, %or3A_74 : vector<512x1xi32>
    %convert_element_type3A_76 = arith.trunci %or3A_75 : vector<512x1xi32> to vector<512x1xi16>
    %ge3A_77 = vector.broadcast %convert_element_type3A_76 : vector<512x1xi16> to vector<512x1024xi16>
    %ge3A_78 = arith.cmpi sge, %convert_element_type3A, %ge3A_77 : vector<512x1024xi16>
    %convert_element_type3A_79 = arith.extui %ge3A_78 : vector<512x1024xi1> to vector<512x1024xi16>
    %slice3A_80 = vector.extract_strided_slice %convert_element_type3A_79 {offsets = [0, 0], sizes = [512, 128], strides = [1, 1]} : vector<512x1024xi16> to vector<512x128xi16>
    %slice3A_81 = vector.extract_strided_slice %convert_element_type3A_79 {offsets = [0, 128], sizes = [512, 128], strides = [1, 1]} : vector<512x1024xi16> to vector<512x128xi16>
    %add3A_82 = arith.addi %slice3A_80, %slice3A_81 : vector<512x128xi16>
    %slice3A_83 = vector.extract_strided_slice %convert_element_type3A_79 {offsets = [0, 256], sizes = [512, 128], strides = [1, 1]} : vector<512x1024xi16> to vector<512x128xi16>
    %add3A_84 = arith.addi %add3A_82, %slice3A_83 : vector<512x128xi16>
    %slice3A_85 = vector.extract_strided_slice %convert_element_type3A_79 {offsets = [0, 384], sizes = [512, 128], strides = [1, 1]} : vector<512x1024xi16> to vector<512x128xi16>
    %add3A_86 = arith.addi %add3A_84, %slice3A_85 : vector<512x128xi16>
    %slice3A_87 = vector.extract_strided_slice %convert_element_type3A_79 {offsets = [0, 512], sizes = [512, 128], strides = [1, 1]} : vector<512x1024xi16> to vector<512x128xi16>
    %add3A_88 = arith.addi %add3A_86, %slice3A_87 : vector<512x128xi16>
    %slice3A_89 = vector.extract_strided_slice %convert_element_type3A_79 {offsets = [0, 640], sizes = [512, 128], strides = [1, 1]} : vector<512x1024xi16> to vector<512x128xi16>
    %add3A_90 = arith.addi %add3A_88, %slice3A_89 : vector<512x128xi16>
    %slice3A_91 = vector.extract_strided_slice %convert_element_type3A_79 {offsets = [0, 768], sizes = [512, 128], strides = [1, 1]} : vector<512x1024xi16> to vector<512x128xi16>
    %add3A_92 = arith.addi %add3A_90, %slice3A_91 : vector<512x128xi16>
    %slice3A_93 = vector.extract_strided_slice %convert_element_type3A_79 {offsets = [0, 896], sizes = [512, 128], strides = [1, 1]} : vector<512x1024xi16> to vector<512x128xi16>
    %add3A_94 = arith.addi %add3A_92, %slice3A_93 : vector<512x128xi16>
    %convert_element_type3A_95 = arith.extsi %add3A_94 : vector<512x128xi16> to vector<512x128xi32>
    %reduce_sum3A_96 = arith.constant dense<0> : vector<512xi32>
    %reduce_sum3A_97 = vector.multi_reduction <add>, %convert_element_type3A_95, %reduce_sum3A_96 [1] : vector<512x128xi32> to vector<512xi32>
    %broadcast_in_dim3A_98 = vector.shape_cast %reduce_sum3A_97 : vector<512xi32> to vector<512x1xi32>
    %ge3A_99 = arith.constant 512 : i32
    %ge3A_100 = vector.broadcast %ge3A_99 : i32 to vector<512x1xi32>
    %ge3A_101 = arith.cmpi sge, %broadcast_in_dim3A_98, %ge3A_100 : vector<512x1xi32>
    %select_n3A_102 = arith.select %ge3A_101, %or3A_75, %select_n3A_72 : vector<512x1xi1>, vector<512x1xi32>
    %or3A_103 = arith.constant 2048 : i32
    %or3A_104 = vector.broadcast %or3A_103 : i32 to vector<512x1xi32>
    %or3A_105 = arith.ori %select_n3A_102, %or3A_104 : vector<512x1xi32>
    %convert_element_type3A_106 = arith.trunci %or3A_105 : vector<512x1xi32> to vector<512x1xi16>
    %ge3A_107 = vector.broadcast %convert_element_type3A_106 : vector<512x1xi16> to vector<512x1024xi16>
    %ge3A_108 = arith.cmpi sge, %convert_element_type3A, %ge3A_107 : vector<512x1024xi16>
    %convert_element_type3A_109 = arith.extui %ge3A_108 : vector<512x1024xi1> to vector<512x1024xi16>
    %slice3A_110 = vector.extract_strided_slice %convert_element_type3A_109 {offsets = [0, 0], sizes = [512, 128], strides = [1, 1]} : vector<512x1024xi16> to vector<512x128xi16>
    %slice3A_111 = vector.extract_strided_slice %convert_element_type3A_109 {offsets = [0, 128], sizes = [512, 128], strides = [1, 1]} : vector<512x1024xi16> to vector<512x128xi16>
    %add3A_112 = arith.addi %slice3A_110, %slice3A_111 : vector<512x128xi16>
    %slice3A_113 = vector.extract_strided_slice %convert_element_type3A_109 {offsets = [0, 256], sizes = [512, 128], strides = [1, 1]} : vector<512x1024xi16> to vector<512x128xi16>
    %add3A_114 = arith.addi %add3A_112, %slice3A_113 : vector<512x128xi16>
    %slice3A_115 = vector.extract_strided_slice %convert_element_type3A_109 {offsets = [0, 384], sizes = [512, 128], strides = [1, 1]} : vector<512x1024xi16> to vector<512x128xi16>
    %add3A_116 = arith.addi %add3A_114, %slice3A_115 : vector<512x128xi16>
    %slice3A_117 = vector.extract_strided_slice %convert_element_type3A_109 {offsets = [0, 512], sizes = [512, 128], strides = [1, 1]} : vector<512x1024xi16> to vector<512x128xi16>
    %add3A_118 = arith.addi %add3A_116, %slice3A_117 : vector<512x128xi16>
    %slice3A_119 = vector.extract_strided_slice %convert_element_type3A_109 {offsets = [0, 640], sizes = [512, 128], strides = [1, 1]} : vector<512x1024xi16> to vector<512x128xi16>
    %add3A_120 = arith.addi %add3A_118, %slice3A_119 : vector<512x128xi16>
    %slice3A_121 = vector.extract_strided_slice %convert_element_type3A_109 {offsets = [0, 768], sizes = [512, 128], strides = [1, 1]} : vector<512x1024xi16> to vector<512x128xi16>
    %add3A_122 = arith.addi %add3A_120, %slice3A_121 : vector<512x128xi16>
    %slice3A_123 = vector.extract_strided_slice %convert_element_type3A_109 {offsets = [0, 896], sizes = [512, 128], strides = [1, 1]} : vector<512x1024xi16> to vector<512x128xi16>
    %add3A_124 = arith.addi %add3A_122, %slice3A_123 : vector<512x128xi16>
    %convert_element_type3A_125 = arith.extsi %add3A_124 : vector<512x128xi16> to vector<512x128xi32>
    %reduce_sum3A_126 = arith.constant dense<0> : vector<512xi32>
    %reduce_sum3A_127 = vector.multi_reduction <add>, %convert_element_type3A_125, %reduce_sum3A_126 [1] : vector<512x128xi32> to vector<512xi32>
    %broadcast_in_dim3A_128 = vector.shape_cast %reduce_sum3A_127 : vector<512xi32> to vector<512x1xi32>
    %ge3A_129 = arith.constant 512 : i32
    %ge3A_130 = vector.broadcast %ge3A_129 : i32 to vector<512x1xi32>
    %ge3A_131 = arith.cmpi sge, %broadcast_in_dim3A_128, %ge3A_130 : vector<512x1xi32>
    %select_n3A_132 = arith.select %ge3A_131, %or3A_105, %select_n3A_102 : vector<512x1xi1>, vector<512x1xi32>
    %or3A_133 = arith.constant 1024 : i32
    %or3A_134 = vector.broadcast %or3A_133 : i32 to vector<512x1xi32>
    %or3A_135 = arith.ori %select_n3A_132, %or3A_134 : vector<512x1xi32>
    %convert_element_type3A_136 = arith.trunci %or3A_135 : vector<512x1xi32> to vector<512x1xi16>
    %ge3A_137 = vector.broadcast %convert_element_type3A_136 : vector<512x1xi16> to vector<512x1024xi16>
    %ge3A_138 = arith.cmpi sge, %convert_element_type3A, %ge3A_137 : vector<512x1024xi16>
    %convert_element_type3A_139 = arith.extui %ge3A_138 : vector<512x1024xi1> to vector<512x1024xi16>
    %slice3A_140 = vector.extract_strided_slice %convert_element_type3A_139 {offsets = [0, 0], sizes = [512, 128], strides = [1, 1]} : vector<512x1024xi16> to vector<512x128xi16>
    %slice3A_141 = vector.extract_strided_slice %convert_element_type3A_139 {offsets = [0, 128], sizes = [512, 128], strides = [1, 1]} : vector<512x1024xi16> to vector<512x128xi16>
    %add3A_142 = arith.addi %slice3A_140, %slice3A_141 : vector<512x128xi16>
    %slice3A_143 = vector.extract_strided_slice %convert_element_type3A_139 {offsets = [0, 256], sizes = [512, 128], strides = [1, 1]} : vector<512x1024xi16> to vector<512x128xi16>
    %add3A_144 = arith.addi %add3A_142, %slice3A_143 : vector<512x128xi16>
    %slice3A_145 = vector.extract_strided_slice %convert_element_type3A_139 {offsets = [0, 384], sizes = [512, 128], strides = [1, 1]} : vector<512x1024xi16> to vector<512x128xi16>
    %add3A_146 = arith.addi %add3A_144, %slice3A_145 : vector<512x128xi16>
    %slice3A_147 = vector.extract_strided_slice %convert_element_type3A_139 {offsets = [0, 512], sizes = [512, 128], strides = [1, 1]} : vector<512x1024xi16> to vector<512x128xi16>
    %add3A_148 = arith.addi %add3A_146, %slice3A_147 : vector<512x128xi16>
    %slice3A_149 = vector.extract_strided_slice %convert_element_type3A_139 {offsets = [0, 640], sizes = [512, 128], strides = [1, 1]} : vector<512x1024xi16> to vector<512x128xi16>
    %add3A_150 = arith.addi %add3A_148, %slice3A_149 : vector<512x128xi16>
    %slice3A_151 = vector.extract_strided_slice %convert_element_type3A_139 {offsets = [0, 768], sizes = [512, 128], strides = [1, 1]} : vector<512x1024xi16> to vector<512x128xi16>
    %add3A_152 = arith.addi %add3A_150, %slice3A_151 : vector<512x128xi16>
    %slice3A_153 = vector.extract_strided_slice %convert_element_type3A_139 {offsets = [0, 896], sizes = [512, 128], strides = [1, 1]} : vector<512x1024xi16> to vector<512x128xi16>
    %add3A_154 = arith.addi %add3A_152, %slice3A_153 : vector<512x128xi16>
    %convert_element_type3A_155 = arith.extsi %add3A_154 : vector<512x128xi16> to vector<512x128xi32>
    %reduce_sum3A_156 = arith.constant dense<0> : vector<512xi32>
    %reduce_sum3A_157 = vector.multi_reduction <add>, %convert_element_type3A_155, %reduce_sum3A_156 [1] : vector<512x128xi32> to vector<512xi32>
    %broadcast_in_dim3A_158 = vector.shape_cast %reduce_sum3A_157 : vector<512xi32> to vector<512x1xi32>
    %ge3A_159 = arith.constant 512 : i32
    %ge3A_160 = vector.broadcast %ge3A_159 : i32 to vector<512x1xi32>
    %ge3A_161 = arith.cmpi sge, %broadcast_in_dim3A_158, %ge3A_160 : vector<512x1xi32>
    %select_n3A_162 = arith.select %ge3A_161, %or3A_135, %select_n3A_132 : vector<512x1xi1>, vector<512x1xi32>
    %or3A_163 = arith.constant 512 : i32
    %or3A_164 = vector.broadcast %or3A_163 : i32 to vector<512x1xi32>
    %or3A_165 = arith.ori %select_n3A_162, %or3A_164 : vector<512x1xi32>
    %convert_element_type3A_166 = arith.trunci %or3A_165 : vector<512x1xi32> to vector<512x1xi16>
    %ge3A_167 = vector.broadcast %convert_element_type3A_166 : vector<512x1xi16> to vector<512x1024xi16>
    %ge3A_168 = arith.cmpi sge, %convert_element_type3A, %ge3A_167 : vector<512x1024xi16>
    %convert_element_type3A_169 = arith.extui %ge3A_168 : vector<512x1024xi1> to vector<512x1024xi16>
    %slice3A_170 = vector.extract_strided_slice %convert_element_type3A_169 {offsets = [0, 0], sizes = [512, 128], strides = [1, 1]} : vector<512x1024xi16> to vector<512x128xi16>
    %slice3A_171 = vector.extract_strided_slice %convert_element_type3A_169 {offsets = [0, 128], sizes = [512, 128], strides = [1, 1]} : vector<512x1024xi16> to vector<512x128xi16>
    %add3A_172 = arith.addi %slice3A_170, %slice3A_171 : vector<512x128xi16>
    %slice3A_173 = vector.extract_strided_slice %convert_element_type3A_169 {offsets = [0, 256], sizes = [512, 128], strides = [1, 1]} : vector<512x1024xi16> to vector<512x128xi16>
    %add3A_174 = arith.addi %add3A_172, %slice3A_173 : vector<512x128xi16>
    %slice3A_175 = vector.extract_strided_slice %convert_element_type3A_169 {offsets = [0, 384], sizes = [512, 128], strides = [1, 1]} : vector<512x1024xi16> to vector<512x128xi16>
    %add3A_176 = arith.addi %add3A_174, %slice3A_175 : vector<512x128xi16>
    %slice3A_177 = vector.extract_strided_slice %convert_element_type3A_169 {offsets = [0, 512], sizes = [512, 128], strides = [1, 1]} : vector<512x1024xi16> to vector<512x128xi16>
    %add3A_178 = arith.addi %add3A_176, %slice3A_177 : vector<512x128xi16>
    %slice3A_179 = vector.extract_strided_slice %convert_element_type3A_169 {offsets = [0, 640], sizes = [512, 128], strides = [1, 1]} : vector<512x1024xi16> to vector<512x128xi16>
    %add3A_180 = arith.addi %add3A_178, %slice3A_179 : vector<512x128xi16>
    %slice3A_181 = vector.extract_strided_slice %convert_element_type3A_169 {offsets = [0, 768], sizes = [512, 128], strides = [1, 1]} : vector<512x1024xi16> to vector<512x128xi16>
    %add3A_182 = arith.addi %add3A_180, %slice3A_181 : vector<512x128xi16>
    %slice3A_183 = vector.extract_strided_slice %convert_element_type3A_169 {offsets = [0, 896], sizes = [512, 128], strides = [1, 1]} : vector<512x1024xi16> to vector<512x128xi16>
    %add3A_184 = arith.addi %add3A_182, %slice3A_183 : vector<512x128xi16>
    %convert_element_type3A_185 = arith.extsi %add3A_184 : vector<512x128xi16> to vector<512x128xi32>
    %reduce_sum3A_186 = arith.constant dense<0> : vector<512xi32>
    %reduce_sum3A_187 = vector.multi_reduction <add>, %convert_element_type3A_185, %reduce_sum3A_186 [1] : vector<512x128xi32> to vector<512xi32>
    %broadcast_in_dim3A_188 = vector.shape_cast %reduce_sum3A_187 : vector<512xi32> to vector<512x1xi32>
    %ge3A_189 = arith.constant 512 : i32
    %ge3A_190 = vector.broadcast %ge3A_189 : i32 to vector<512x1xi32>
    %ge3A_191 = arith.cmpi sge, %broadcast_in_dim3A_188, %ge3A_190 : vector<512x1xi32>
    %select_n3A_192 = arith.select %ge3A_191, %or3A_165, %select_n3A_162 : vector<512x1xi1>, vector<512x1xi32>
    %or3A_193 = arith.constant 256 : i32
    %or3A_194 = vector.broadcast %or3A_193 : i32 to vector<512x1xi32>
    %or3A_195 = arith.ori %select_n3A_192, %or3A_194 : vector<512x1xi32>
    %convert_element_type3A_196 = arith.trunci %or3A_195 : vector<512x1xi32> to vector<512x1xi16>
    %ge3A_197 = vector.broadcast %convert_element_type3A_196 : vector<512x1xi16> to vector<512x1024xi16>
    %ge3A_198 = arith.cmpi sge, %convert_element_type3A, %ge3A_197 : vector<512x1024xi16>
    %convert_element_type3A_199 = arith.extui %ge3A_198 : vector<512x1024xi1> to vector<512x1024xi16>
    %slice3A_200 = vector.extract_strided_slice %convert_element_type3A_199 {offsets = [0, 0], sizes = [512, 128], strides = [1, 1]} : vector<512x1024xi16> to vector<512x128xi16>
    %slice3A_201 = vector.extract_strided_slice %convert_element_type3A_199 {offsets = [0, 128], sizes = [512, 128], strides = [1, 1]} : vector<512x1024xi16> to vector<512x128xi16>
    %add3A_202 = arith.addi %slice3A_200, %slice3A_201 : vector<512x128xi16>
    %slice3A_203 = vector.extract_strided_slice %convert_element_type3A_199 {offsets = [0, 256], sizes = [512, 128], strides = [1, 1]} : vector<512x1024xi16> to vector<512x128xi16>
    %add3A_204 = arith.addi %add3A_202, %slice3A_203 : vector<512x128xi16>
    %slice3A_205 = vector.extract_strided_slice %convert_element_type3A_199 {offsets = [0, 384], sizes = [512, 128], strides = [1, 1]} : vector<512x1024xi16> to vector<512x128xi16>
    %add3A_206 = arith.addi %add3A_204, %slice3A_205 : vector<512x128xi16>
    %slice3A_207 = vector.extract_strided_slice %convert_element_type3A_199 {offsets = [0, 512], sizes = [512, 128], strides = [1, 1]} : vector<512x1024xi16> to vector<512x128xi16>
    %add3A_208 = arith.addi %add3A_206, %slice3A_207 : vector<512x128xi16>
    %slice3A_209 = vector.extract_strided_slice %convert_element_type3A_199 {offsets = [0, 640], sizes = [512, 128], strides = [1, 1]} : vector<512x1024xi16> to vector<512x128xi16>
    %add3A_210 = arith.addi %add3A_208, %slice3A_209 : vector<512x128xi16>
    %slice3A_211 = vector.extract_strided_slice %convert_element_type3A_199 {offsets = [0, 768], sizes = [512, 128], strides = [1, 1]} : vector<512x1024xi16> to vector<512x128xi16>
    %add3A_212 = arith.addi %add3A_210, %slice3A_211 : vector<512x128xi16>
    %slice3A_213 = vector.extract_strided_slice %convert_element_type3A_199 {offsets = [0, 896], sizes = [512, 128], strides = [1, 1]} : vector<512x1024xi16> to vector<512x128xi16>
    %add3A_214 = arith.addi %add3A_212, %slice3A_213 : vector<512x128xi16>
    %convert_element_type3A_215 = arith.extsi %add3A_214 : vector<512x128xi16> to vector<512x128xi32>
    %reduce_sum3A_216 = arith.constant dense<0> : vector<512xi32>
    %reduce_sum3A_217 = vector.multi_reduction <add>, %convert_element_type3A_215, %reduce_sum3A_216 [1] : vector<512x128xi32> to vector<512xi32>
    %broadcast_in_dim3A_218 = vector.shape_cast %reduce_sum3A_217 : vector<512xi32> to vector<512x1xi32>
    %ge3A_219 = arith.constant 512 : i32
    %ge3A_220 = vector.broadcast %ge3A_219 : i32 to vector<512x1xi32>
    %ge3A_221 = arith.cmpi sge, %broadcast_in_dim3A_218, %ge3A_220 : vector<512x1xi32>
    %select_n3A_222 = arith.select %ge3A_221, %or3A_195, %select_n3A_192 : vector<512x1xi1>, vector<512x1xi32>
    %or3A_223 = arith.constant 128 : i32
    %or3A_224 = vector.broadcast %or3A_223 : i32 to vector<512x1xi32>
    %or3A_225 = arith.ori %select_n3A_222, %or3A_224 : vector<512x1xi32>
    %convert_element_type3A_226 = arith.trunci %or3A_225 : vector<512x1xi32> to vector<512x1xi16>
    %ge3A_227 = vector.broadcast %convert_element_type3A_226 : vector<512x1xi16> to vector<512x1024xi16>
    %ge3A_228 = arith.cmpi sge, %convert_element_type3A, %ge3A_227 : vector<512x1024xi16>
    %convert_element_type3A_229 = arith.extui %ge3A_228 : vector<512x1024xi1> to vector<512x1024xi16>
    %slice3A_230 = vector.extract_strided_slice %convert_element_type3A_229 {offsets = [0, 0], sizes = [512, 128], strides = [1, 1]} : vector<512x1024xi16> to vector<512x128xi16>
    %slice3A_231 = vector.extract_strided_slice %convert_element_type3A_229 {offsets = [0, 128], sizes = [512, 128], strides = [1, 1]} : vector<512x1024xi16> to vector<512x128xi16>
    %add3A_232 = arith.addi %slice3A_230, %slice3A_231 : vector<512x128xi16>
    %slice3A_233 = vector.extract_strided_slice %convert_element_type3A_229 {offsets = [0, 256], sizes = [512, 128], strides = [1, 1]} : vector<512x1024xi16> to vector<512x128xi16>
    %add3A_234 = arith.addi %add3A_232, %slice3A_233 : vector<512x128xi16>
    %slice3A_235 = vector.extract_strided_slice %convert_element_type3A_229 {offsets = [0, 384], sizes = [512, 128], strides = [1, 1]} : vector<512x1024xi16> to vector<512x128xi16>
    %add3A_236 = arith.addi %add3A_234, %slice3A_235 : vector<512x128xi16>
    %slice3A_237 = vector.extract_strided_slice %convert_element_type3A_229 {offsets = [0, 512], sizes = [512, 128], strides = [1, 1]} : vector<512x1024xi16> to vector<512x128xi16>
    %add3A_238 = arith.addi %add3A_236, %slice3A_237 : vector<512x128xi16>
    %slice3A_239 = vector.extract_strided_slice %convert_element_type3A_229 {offsets = [0, 640], sizes = [512, 128], strides = [1, 1]} : vector<512x1024xi16> to vector<512x128xi16>
    %add3A_240 = arith.addi %add3A_238, %slice3A_239 : vector<512x128xi16>
    %slice3A_241 = vector.extract_strided_slice %convert_element_type3A_229 {offsets = [0, 768], sizes = [512, 128], strides = [1, 1]} : vector<512x1024xi16> to vector<512x128xi16>
    %add3A_242 = arith.addi %add3A_240, %slice3A_241 : vector<512x128xi16>
    %slice3A_243 = vector.extract_strided_slice %convert_element_type3A_229 {offsets = [0, 896], sizes = [512, 128], strides = [1, 1]} : vector<512x1024xi16> to vector<512x128xi16>
    %add3A_244 = arith.addi %add3A_242, %slice3A_243 : vector<512x128xi16>
    %convert_element_type3A_245 = arith.extsi %add3A_244 : vector<512x128xi16> to vector<512x128xi32>
    %reduce_sum3A_246 = arith.constant dense<0> : vector<512xi32>
    %reduce_sum3A_247 = vector.multi_reduction <add>, %convert_element_type3A_245, %reduce_sum3A_246 [1] : vector<512x128xi32> to vector<512xi32>
    %broadcast_in_dim3A_248 = vector.shape_cast %reduce_sum3A_247 : vector<512xi32> to vector<512x1xi32>
    %ge3A_249 = arith.constant 512 : i32
    %ge3A_250 = vector.broadcast %ge3A_249 : i32 to vector<512x1xi32>
    %ge3A_251 = arith.cmpi sge, %broadcast_in_dim3A_248, %ge3A_250 : vector<512x1xi32>
    %select_n3A_252 = arith.select %ge3A_251, %or3A_225, %select_n3A_222 : vector<512x1xi1>, vector<512x1xi32>
    %or3A_253 = arith.constant 64 : i32
    %or3A_254 = vector.broadcast %or3A_253 : i32 to vector<512x1xi32>
    %or3A_255 = arith.ori %select_n3A_252, %or3A_254 : vector<512x1xi32>
    %convert_element_type3A_256 = arith.trunci %or3A_255 : vector<512x1xi32> to vector<512x1xi16>
    %ge3A_257 = vector.broadcast %convert_element_type3A_256 : vector<512x1xi16> to vector<512x1024xi16>
    %ge3A_258 = arith.cmpi sge, %convert_element_type3A, %ge3A_257 : vector<512x1024xi16>
    %convert_element_type3A_259 = arith.extui %ge3A_258 : vector<512x1024xi1> to vector<512x1024xi16>
    %slice3A_260 = vector.extract_strided_slice %convert_element_type3A_259 {offsets = [0, 0], sizes = [512, 128], strides = [1, 1]} : vector<512x1024xi16> to vector<512x128xi16>
    %slice3A_261 = vector.extract_strided_slice %convert_element_type3A_259 {offsets = [0, 128], sizes = [512, 128], strides = [1, 1]} : vector<512x1024xi16> to vector<512x128xi16>
    %add3A_262 = arith.addi %slice3A_260, %slice3A_261 : vector<512x128xi16>
    %slice3A_263 = vector.extract_strided_slice %convert_element_type3A_259 {offsets = [0, 256], sizes = [512, 128], strides = [1, 1]} : vector<512x1024xi16> to vector<512x128xi16>
    %add3A_264 = arith.addi %add3A_262, %slice3A_263 : vector<512x128xi16>
    %slice3A_265 = vector.extract_strided_slice %convert_element_type3A_259 {offsets = [0, 384], sizes = [512, 128], strides = [1, 1]} : vector<512x1024xi16> to vector<512x128xi16>
    %add3A_266 = arith.addi %add3A_264, %slice3A_265 : vector<512x128xi16>
    %slice3A_267 = vector.extract_strided_slice %convert_element_type3A_259 {offsets = [0, 512], sizes = [512, 128], strides = [1, 1]} : vector<512x1024xi16> to vector<512x128xi16>
    %add3A_268 = arith.addi %add3A_266, %slice3A_267 : vector<512x128xi16>
    %slice3A_269 = vector.extract_strided_slice %convert_element_type3A_259 {offsets = [0, 640], sizes = [512, 128], strides = [1, 1]} : vector<512x1024xi16> to vector<512x128xi16>
    %add3A_270 = arith.addi %add3A_268, %slice3A_269 : vector<512x128xi16>
    %slice3A_271 = vector.extract_strided_slice %convert_element_type3A_259 {offsets = [0, 768], sizes = [512, 128], strides = [1, 1]} : vector<512x1024xi16> to vector<512x128xi16>
    %add3A_272 = arith.addi %add3A_270, %slice3A_271 : vector<512x128xi16>
    %slice3A_273 = vector.extract_strided_slice %convert_element_type3A_259 {offsets = [0, 896], sizes = [512, 128], strides = [1, 1]} : vector<512x1024xi16> to vector<512x128xi16>
    %add3A_274 = arith.addi %add3A_272, %slice3A_273 : vector<512x128xi16>
    %convert_element_type3A_275 = arith.extsi %add3A_274 : vector<512x128xi16> to vector<512x128xi32>
    %reduce_sum3A_276 = arith.constant dense<0> : vector<512xi32>
    %reduce_sum3A_277 = vector.multi_reduction <add>, %convert_element_type3A_275, %reduce_sum3A_276 [1] : vector<512x128xi32> to vector<512xi32>
    %broadcast_in_dim3A_278 = vector.shape_cast %reduce_sum3A_277 : vector<512xi32> to vector<512x1xi32>
    %ge3A_279 = arith.constant 512 : i32
    %ge3A_280 = vector.broadcast %ge3A_279 : i32 to vector<512x1xi32>
    %ge3A_281 = arith.cmpi sge, %broadcast_in_dim3A_278, %ge3A_280 : vector<512x1xi32>
    %select_n3A_282 = arith.select %ge3A_281, %or3A_255, %select_n3A_252 : vector<512x1xi1>, vector<512x1xi32>
    %or3A_283 = arith.constant 32 : i32
    %or3A_284 = vector.broadcast %or3A_283 : i32 to vector<512x1xi32>
    %or3A_285 = arith.ori %select_n3A_282, %or3A_284 : vector<512x1xi32>
    %convert_element_type3A_286 = arith.trunci %or3A_285 : vector<512x1xi32> to vector<512x1xi16>
    %ge3A_287 = vector.broadcast %convert_element_type3A_286 : vector<512x1xi16> to vector<512x1024xi16>
    %ge3A_288 = arith.cmpi sge, %convert_element_type3A, %ge3A_287 : vector<512x1024xi16>
    %convert_element_type3A_289 = arith.extui %ge3A_288 : vector<512x1024xi1> to vector<512x1024xi16>
    %slice3A_290 = vector.extract_strided_slice %convert_element_type3A_289 {offsets = [0, 0], sizes = [512, 128], strides = [1, 1]} : vector<512x1024xi16> to vector<512x128xi16>
    %slice3A_291 = vector.extract_strided_slice %convert_element_type3A_289 {offsets = [0, 128], sizes = [512, 128], strides = [1, 1]} : vector<512x1024xi16> to vector<512x128xi16>
    %add3A_292 = arith.addi %slice3A_290, %slice3A_291 : vector<512x128xi16>
    %slice3A_293 = vector.extract_strided_slice %convert_element_type3A_289 {offsets = [0, 256], sizes = [512, 128], strides = [1, 1]} : vector<512x1024xi16> to vector<512x128xi16>
    %add3A_294 = arith.addi %add3A_292, %slice3A_293 : vector<512x128xi16>
    %slice3A_295 = vector.extract_strided_slice %convert_element_type3A_289 {offsets = [0, 384], sizes = [512, 128], strides = [1, 1]} : vector<512x1024xi16> to vector<512x128xi16>
    %add3A_296 = arith.addi %add3A_294, %slice3A_295 : vector<512x128xi16>
    %slice3A_297 = vector.extract_strided_slice %convert_element_type3A_289 {offsets = [0, 512], sizes = [512, 128], strides = [1, 1]} : vector<512x1024xi16> to vector<512x128xi16>
    %add3A_298 = arith.addi %add3A_296, %slice3A_297 : vector<512x128xi16>
    %slice3A_299 = vector.extract_strided_slice %convert_element_type3A_289 {offsets = [0, 640], sizes = [512, 128], strides = [1, 1]} : vector<512x1024xi16> to vector<512x128xi16>
    %add3A_300 = arith.addi %add3A_298, %slice3A_299 : vector<512x128xi16>
    %slice3A_301 = vector.extract_strided_slice %convert_element_type3A_289 {offsets = [0, 768], sizes = [512, 128], strides = [1, 1]} : vector<512x1024xi16> to vector<512x128xi16>
    %add3A_302 = arith.addi %add3A_300, %slice3A_301 : vector<512x128xi16>
    %slice3A_303 = vector.extract_strided_slice %convert_element_type3A_289 {offsets = [0, 896], sizes = [512, 128], strides = [1, 1]} : vector<512x1024xi16> to vector<512x128xi16>
    %add3A_304 = arith.addi %add3A_302, %slice3A_303 : vector<512x128xi16>
    %convert_element_type3A_305 = arith.extsi %add3A_304 : vector<512x128xi16> to vector<512x128xi32>
    %reduce_sum3A_306 = arith.constant dense<0> : vector<512xi32>
    %reduce_sum3A_307 = vector.multi_reduction <add>, %convert_element_type3A_305, %reduce_sum3A_306 [1] : vector<512x128xi32> to vector<512xi32>
    %broadcast_in_dim3A_308 = vector.shape_cast %reduce_sum3A_307 : vector<512xi32> to vector<512x1xi32>
    %ge3A_309 = arith.constant 512 : i32
    %ge3A_310 = vector.broadcast %ge3A_309 : i32 to vector<512x1xi32>
    %ge3A_311 = arith.cmpi sge, %broadcast_in_dim3A_308, %ge3A_310 : vector<512x1xi32>
    %select_n3A_312 = arith.select %ge3A_311, %or3A_285, %select_n3A_282 : vector<512x1xi1>, vector<512x1xi32>
    %or3A_313 = arith.constant 16 : i32
    %or3A_314 = vector.broadcast %or3A_313 : i32 to vector<512x1xi32>
    %or3A_315 = arith.ori %select_n3A_312, %or3A_314 : vector<512x1xi32>
    %convert_element_type3A_316 = arith.trunci %or3A_315 : vector<512x1xi32> to vector<512x1xi16>
    %ge3A_317 = vector.broadcast %convert_element_type3A_316 : vector<512x1xi16> to vector<512x1024xi16>
    %ge3A_318 = arith.cmpi sge, %convert_element_type3A, %ge3A_317 : vector<512x1024xi16>
    %convert_element_type3A_319 = arith.extui %ge3A_318 : vector<512x1024xi1> to vector<512x1024xi16>
    %slice3A_320 = vector.extract_strided_slice %convert_element_type3A_319 {offsets = [0, 0], sizes = [512, 128], strides = [1, 1]} : vector<512x1024xi16> to vector<512x128xi16>
    %slice3A_321 = vector.extract_strided_slice %convert_element_type3A_319 {offsets = [0, 128], sizes = [512, 128], strides = [1, 1]} : vector<512x1024xi16> to vector<512x128xi16>
    %add3A_322 = arith.addi %slice3A_320, %slice3A_321 : vector<512x128xi16>
    %slice3A_323 = vector.extract_strided_slice %convert_element_type3A_319 {offsets = [0, 256], sizes = [512, 128], strides = [1, 1]} : vector<512x1024xi16> to vector<512x128xi16>
    %add3A_324 = arith.addi %add3A_322, %slice3A_323 : vector<512x128xi16>
    %slice3A_325 = vector.extract_strided_slice %convert_element_type3A_319 {offsets = [0, 384], sizes = [512, 128], strides = [1, 1]} : vector<512x1024xi16> to vector<512x128xi16>
    %add3A_326 = arith.addi %add3A_324, %slice3A_325 : vector<512x128xi16>
    %slice3A_327 = vector.extract_strided_slice %convert_element_type3A_319 {offsets = [0, 512], sizes = [512, 128], strides = [1, 1]} : vector<512x1024xi16> to vector<512x128xi16>
    %add3A_328 = arith.addi %add3A_326, %slice3A_327 : vector<512x128xi16>
    %slice3A_329 = vector.extract_strided_slice %convert_element_type3A_319 {offsets = [0, 640], sizes = [512, 128], strides = [1, 1]} : vector<512x1024xi16> to vector<512x128xi16>
    %add3A_330 = arith.addi %add3A_328, %slice3A_329 : vector<512x128xi16>
    %slice3A_331 = vector.extract_strided_slice %convert_element_type3A_319 {offsets = [0, 768], sizes = [512, 128], strides = [1, 1]} : vector<512x1024xi16> to vector<512x128xi16>
    %add3A_332 = arith.addi %add3A_330, %slice3A_331 : vector<512x128xi16>
    %slice3A_333 = vector.extract_strided_slice %convert_element_type3A_319 {offsets = [0, 896], sizes = [512, 128], strides = [1, 1]} : vector<512x1024xi16> to vector<512x128xi16>
    %add3A_334 = arith.addi %add3A_332, %slice3A_333 : vector<512x128xi16>
    %convert_element_type3A_335 = arith.extsi %add3A_334 : vector<512x128xi16> to vector<512x128xi32>
    %reduce_sum3A_336 = arith.constant dense<0> : vector<512xi32>
    %reduce_sum3A_337 = vector.multi_reduction <add>, %convert_element_type3A_335, %reduce_sum3A_336 [1] : vector<512x128xi32> to vector<512xi32>
    %broadcast_in_dim3A_338 = vector.shape_cast %reduce_sum3A_337 : vector<512xi32> to vector<512x1xi32>
    %ge3A_339 = arith.constant 512 : i32
    %ge3A_340 = vector.broadcast %ge3A_339 : i32 to vector<512x1xi32>
    %ge3A_341 = arith.cmpi sge, %broadcast_in_dim3A_338, %ge3A_340 : vector<512x1xi32>
    %select_n3A_342 = arith.select %ge3A_341, %or3A_315, %select_n3A_312 : vector<512x1xi1>, vector<512x1xi32>
    %or3A_343 = arith.constant 8 : i32
    %or3A_344 = vector.broadcast %or3A_343 : i32 to vector<512x1xi32>
    %or3A_345 = arith.ori %select_n3A_342, %or3A_344 : vector<512x1xi32>
    %convert_element_type3A_346 = arith.trunci %or3A_345 : vector<512x1xi32> to vector<512x1xi16>
    %ge3A_347 = vector.broadcast %convert_element_type3A_346 : vector<512x1xi16> to vector<512x1024xi16>
    %ge3A_348 = arith.cmpi sge, %convert_element_type3A, %ge3A_347 : vector<512x1024xi16>
    %convert_element_type3A_349 = arith.extui %ge3A_348 : vector<512x1024xi1> to vector<512x1024xi16>
    %slice3A_350 = vector.extract_strided_slice %convert_element_type3A_349 {offsets = [0, 0], sizes = [512, 128], strides = [1, 1]} : vector<512x1024xi16> to vector<512x128xi16>
    %slice3A_351 = vector.extract_strided_slice %convert_element_type3A_349 {offsets = [0, 128], sizes = [512, 128], strides = [1, 1]} : vector<512x1024xi16> to vector<512x128xi16>
    %add3A_352 = arith.addi %slice3A_350, %slice3A_351 : vector<512x128xi16>
    %slice3A_353 = vector.extract_strided_slice %convert_element_type3A_349 {offsets = [0, 256], sizes = [512, 128], strides = [1, 1]} : vector<512x1024xi16> to vector<512x128xi16>
    %add3A_354 = arith.addi %add3A_352, %slice3A_353 : vector<512x128xi16>
    %slice3A_355 = vector.extract_strided_slice %convert_element_type3A_349 {offsets = [0, 384], sizes = [512, 128], strides = [1, 1]} : vector<512x1024xi16> to vector<512x128xi16>
    %add3A_356 = arith.addi %add3A_354, %slice3A_355 : vector<512x128xi16>
    %slice3A_357 = vector.extract_strided_slice %convert_element_type3A_349 {offsets = [0, 512], sizes = [512, 128], strides = [1, 1]} : vector<512x1024xi16> to vector<512x128xi16>
    %add3A_358 = arith.addi %add3A_356, %slice3A_357 : vector<512x128xi16>
    %slice3A_359 = vector.extract_strided_slice %convert_element_type3A_349 {offsets = [0, 640], sizes = [512, 128], strides = [1, 1]} : vector<512x1024xi16> to vector<512x128xi16>
    %add3A_360 = arith.addi %add3A_358, %slice3A_359 : vector<512x128xi16>
    %slice3A_361 = vector.extract_strided_slice %convert_element_type3A_349 {offsets = [0, 768], sizes = [512, 128], strides = [1, 1]} : vector<512x1024xi16> to vector<512x128xi16>
    %add3A_362 = arith.addi %add3A_360, %slice3A_361 : vector<512x128xi16>
    %slice3A_363 = vector.extract_strided_slice %convert_element_type3A_349 {offsets = [0, 896], sizes = [512, 128], strides = [1, 1]} : vector<512x1024xi16> to vector<512x128xi16>
    %add3A_364 = arith.addi %add3A_362, %slice3A_363 : vector<512x128xi16>
    %convert_element_type3A_365 = arith.extsi %add3A_364 : vector<512x128xi16> to vector<512x128xi32>
    %reduce_sum3A_366 = arith.constant dense<0> : vector<512xi32>
    %reduce_sum3A_367 = vector.multi_reduction <add>, %convert_element_type3A_365, %reduce_sum3A_366 [1] : vector<512x128xi32> to vector<512xi32>
    %broadcast_in_dim3A_368 = vector.shape_cast %reduce_sum3A_367 : vector<512xi32> to vector<512x1xi32>
    %ge3A_369 = arith.constant 512 : i32
    %ge3A_370 = vector.broadcast %ge3A_369 : i32 to vector<512x1xi32>
    %ge3A_371 = arith.cmpi sge, %broadcast_in_dim3A_368, %ge3A_370 : vector<512x1xi32>
    %select_n3A_372 = arith.select %ge3A_371, %or3A_345, %select_n3A_342 : vector<512x1xi1>, vector<512x1xi32>
    %or3A_373 = arith.constant 4 : i32
    %or3A_374 = vector.broadcast %or3A_373 : i32 to vector<512x1xi32>
    %or3A_375 = arith.ori %select_n3A_372, %or3A_374 : vector<512x1xi32>
    %convert_element_type3A_376 = arith.trunci %or3A_375 : vector<512x1xi32> to vector<512x1xi16>
    %ge3A_377 = vector.broadcast %convert_element_type3A_376 : vector<512x1xi16> to vector<512x1024xi16>
    %ge3A_378 = arith.cmpi sge, %convert_element_type3A, %ge3A_377 : vector<512x1024xi16>
    %convert_element_type3A_379 = arith.extui %ge3A_378 : vector<512x1024xi1> to vector<512x1024xi16>
    %slice3A_380 = vector.extract_strided_slice %convert_element_type3A_379 {offsets = [0, 0], sizes = [512, 128], strides = [1, 1]} : vector<512x1024xi16> to vector<512x128xi16>
    %slice3A_381 = vector.extract_strided_slice %convert_element_type3A_379 {offsets = [0, 128], sizes = [512, 128], strides = [1, 1]} : vector<512x1024xi16> to vector<512x128xi16>
    %add3A_382 = arith.addi %slice3A_380, %slice3A_381 : vector<512x128xi16>
    %slice3A_383 = vector.extract_strided_slice %convert_element_type3A_379 {offsets = [0, 256], sizes = [512, 128], strides = [1, 1]} : vector<512x1024xi16> to vector<512x128xi16>
    %add3A_384 = arith.addi %add3A_382, %slice3A_383 : vector<512x128xi16>
    %slice3A_385 = vector.extract_strided_slice %convert_element_type3A_379 {offsets = [0, 384], sizes = [512, 128], strides = [1, 1]} : vector<512x1024xi16> to vector<512x128xi16>
    %add3A_386 = arith.addi %add3A_384, %slice3A_385 : vector<512x128xi16>
    %slice3A_387 = vector.extract_strided_slice %convert_element_type3A_379 {offsets = [0, 512], sizes = [512, 128], strides = [1, 1]} : vector<512x1024xi16> to vector<512x128xi16>
    %add3A_388 = arith.addi %add3A_386, %slice3A_387 : vector<512x128xi16>
    %slice3A_389 = vector.extract_strided_slice %convert_element_type3A_379 {offsets = [0, 640], sizes = [512, 128], strides = [1, 1]} : vector<512x1024xi16> to vector<512x128xi16>
    %add3A_390 = arith.addi %add3A_388, %slice3A_389 : vector<512x128xi16>
    %slice3A_391 = vector.extract_strided_slice %convert_element_type3A_379 {offsets = [0, 768], sizes = [512, 128], strides = [1, 1]} : vector<512x1024xi16> to vector<512x128xi16>
    %add3A_392 = arith.addi %add3A_390, %slice3A_391 : vector<512x128xi16>
    %slice3A_393 = vector.extract_strided_slice %convert_element_type3A_379 {offsets = [0, 896], sizes = [512, 128], strides = [1, 1]} : vector<512x1024xi16> to vector<512x128xi16>
    %add3A_394 = arith.addi %add3A_392, %slice3A_393 : vector<512x128xi16>
    %convert_element_type3A_395 = arith.extsi %add3A_394 : vector<512x128xi16> to vector<512x128xi32>
    %reduce_sum3A_396 = arith.constant dense<0> : vector<512xi32>
    %reduce_sum3A_397 = vector.multi_reduction <add>, %convert_element_type3A_395, %reduce_sum3A_396 [1] : vector<512x128xi32> to vector<512xi32>
    %broadcast_in_dim3A_398 = vector.shape_cast %reduce_sum3A_397 : vector<512xi32> to vector<512x1xi32>
    %ge3A_399 = arith.constant 512 : i32
    %ge3A_400 = vector.broadcast %ge3A_399 : i32 to vector<512x1xi32>
    %ge3A_401 = arith.cmpi sge, %broadcast_in_dim3A_398, %ge3A_400 : vector<512x1xi32>
    %select_n3A_402 = arith.select %ge3A_401, %or3A_375, %select_n3A_372 : vector<512x1xi1>, vector<512x1xi32>
    %or3A_403 = arith.constant 2 : i32
    %or3A_404 = vector.broadcast %or3A_403 : i32 to vector<512x1xi32>
    %or3A_405 = arith.ori %select_n3A_402, %or3A_404 : vector<512x1xi32>
    %convert_element_type3A_406 = arith.trunci %or3A_405 : vector<512x1xi32> to vector<512x1xi16>
    %ge3A_407 = vector.broadcast %convert_element_type3A_406 : vector<512x1xi16> to vector<512x1024xi16>
    %ge3A_408 = arith.cmpi sge, %convert_element_type3A, %ge3A_407 : vector<512x1024xi16>
    %convert_element_type3A_409 = arith.extui %ge3A_408 : vector<512x1024xi1> to vector<512x1024xi16>
    %slice3A_410 = vector.extract_strided_slice %convert_element_type3A_409 {offsets = [0, 0], sizes = [512, 128], strides = [1, 1]} : vector<512x1024xi16> to vector<512x128xi16>
    %slice3A_411 = vector.extract_strided_slice %convert_element_type3A_409 {offsets = [0, 128], sizes = [512, 128], strides = [1, 1]} : vector<512x1024xi16> to vector<512x128xi16>
    %add3A_412 = arith.addi %slice3A_410, %slice3A_411 : vector<512x128xi16>
    %slice3A_413 = vector.extract_strided_slice %convert_element_type3A_409 {offsets = [0, 256], sizes = [512, 128], strides = [1, 1]} : vector<512x1024xi16> to vector<512x128xi16>
    %add3A_414 = arith.addi %add3A_412, %slice3A_413 : vector<512x128xi16>
    %slice3A_415 = vector.extract_strided_slice %convert_element_type3A_409 {offsets = [0, 384], sizes = [512, 128], strides = [1, 1]} : vector<512x1024xi16> to vector<512x128xi16>
    %add3A_416 = arith.addi %add3A_414, %slice3A_415 : vector<512x128xi16>
    %slice3A_417 = vector.extract_strided_slice %convert_element_type3A_409 {offsets = [0, 512], sizes = [512, 128], strides = [1, 1]} : vector<512x1024xi16> to vector<512x128xi16>
    %add3A_418 = arith.addi %add3A_416, %slice3A_417 : vector<512x128xi16>
    %slice3A_419 = vector.extract_strided_slice %convert_element_type3A_409 {offsets = [0, 640], sizes = [512, 128], strides = [1, 1]} : vector<512x1024xi16> to vector<512x128xi16>
    %add3A_420 = arith.addi %add3A_418, %slice3A_419 : vector<512x128xi16>
    %slice3A_421 = vector.extract_strided_slice %convert_element_type3A_409 {offsets = [0, 768], sizes = [512, 128], strides = [1, 1]} : vector<512x1024xi16> to vector<512x128xi16>
    %add3A_422 = arith.addi %add3A_420, %slice3A_421 : vector<512x128xi16>
    %slice3A_423 = vector.extract_strided_slice %convert_element_type3A_409 {offsets = [0, 896], sizes = [512, 128], strides = [1, 1]} : vector<512x1024xi16> to vector<512x128xi16>
    %add3A_424 = arith.addi %add3A_422, %slice3A_423 : vector<512x128xi16>
    %convert_element_type3A_425 = arith.extsi %add3A_424 : vector<512x128xi16> to vector<512x128xi32>
    %reduce_sum3A_426 = arith.constant dense<0> : vector<512xi32>
    %reduce_sum3A_427 = vector.multi_reduction <add>, %convert_element_type3A_425, %reduce_sum3A_426 [1] : vector<512x128xi32> to vector<512xi32>
    %broadcast_in_dim3A_428 = vector.shape_cast %reduce_sum3A_427 : vector<512xi32> to vector<512x1xi32>
    %ge3A_429 = arith.constant 512 : i32
    %ge3A_430 = vector.broadcast %ge3A_429 : i32 to vector<512x1xi32>
    %ge3A_431 = arith.cmpi sge, %broadcast_in_dim3A_428, %ge3A_430 : vector<512x1xi32>
    %select_n3A_432 = arith.select %ge3A_431, %or3A_405, %select_n3A_402 : vector<512x1xi1>, vector<512x1xi32>
    %or3A_433 = arith.constant 1 : i32
    %or3A_434 = vector.broadcast %or3A_433 : i32 to vector<512x1xi32>
    %or3A_435 = arith.ori %select_n3A_432, %or3A_434 : vector<512x1xi32>
    %convert_element_type3A_436 = arith.trunci %or3A_435 : vector<512x1xi32> to vector<512x1xi16>
    %ge3A_437 = vector.broadcast %convert_element_type3A_436 : vector<512x1xi16> to vector<512x1024xi16>
    %ge3A_438 = arith.cmpi sge, %convert_element_type3A, %ge3A_437 : vector<512x1024xi16>
    %convert_element_type3A_439 = arith.extui %ge3A_438 : vector<512x1024xi1> to vector<512x1024xi16>
    %slice3A_440 = vector.extract_strided_slice %convert_element_type3A_439 {offsets = [0, 0], sizes = [512, 128], strides = [1, 1]} : vector<512x1024xi16> to vector<512x128xi16>
    %slice3A_441 = vector.extract_strided_slice %convert_element_type3A_439 {offsets = [0, 128], sizes = [512, 128], strides = [1, 1]} : vector<512x1024xi16> to vector<512x128xi16>
    %add3A_442 = arith.addi %slice3A_440, %slice3A_441 : vector<512x128xi16>
    %slice3A_443 = vector.extract_strided_slice %convert_element_type3A_439 {offsets = [0, 256], sizes = [512, 128], strides = [1, 1]} : vector<512x1024xi16> to vector<512x128xi16>
    %add3A_444 = arith.addi %add3A_442, %slice3A_443 : vector<512x128xi16>
    %slice3A_445 = vector.extract_strided_slice %convert_element_type3A_439 {offsets = [0, 384], sizes = [512, 128], strides = [1, 1]} : vector<512x1024xi16> to vector<512x128xi16>
    %add3A_446 = arith.addi %add3A_444, %slice3A_445 : vector<512x128xi16>
    %slice3A_447 = vector.extract_strided_slice %convert_element_type3A_439 {offsets = [0, 512], sizes = [512, 128], strides = [1, 1]} : vector<512x1024xi16> to vector<512x128xi16>
    %add3A_448 = arith.addi %add3A_446, %slice3A_447 : vector<512x128xi16>
    %slice3A_449 = vector.extract_strided_slice %convert_element_type3A_439 {offsets = [0, 640], sizes = [512, 128], strides = [1, 1]} : vector<512x1024xi16> to vector<512x128xi16>
    %add3A_450 = arith.addi %add3A_448, %slice3A_449 : vector<512x128xi16>
    %slice3A_451 = vector.extract_strided_slice %convert_element_type3A_439 {offsets = [0, 768], sizes = [512, 128], strides = [1, 1]} : vector<512x1024xi16> to vector<512x128xi16>
    %add3A_452 = arith.addi %add3A_450, %slice3A_451 : vector<512x128xi16>
    %slice3A_453 = vector.extract_strided_slice %convert_element_type3A_439 {offsets = [0, 896], sizes = [512, 128], strides = [1, 1]} : vector<512x1024xi16> to vector<512x128xi16>
    %add3A_454 = arith.addi %add3A_452, %slice3A_453 : vector<512x128xi16>
    %convert_element_type3A_455 = arith.extsi %add3A_454 : vector<512x128xi16> to vector<512x128xi32>
    %reduce_sum3A_456 = arith.constant dense<0> : vector<512xi32>
    %reduce_sum3A_457 = vector.multi_reduction <add>, %convert_element_type3A_455, %reduce_sum3A_456 [1] : vector<512x128xi32> to vector<512xi32>
    %broadcast_in_dim3A_458 = vector.shape_cast %reduce_sum3A_457 : vector<512xi32> to vector<512x1xi32>
    %ge3A_459 = arith.constant 512 : i32
    %ge3A_460 = vector.broadcast %ge3A_459 : i32 to vector<512x1xi32>
    %ge3A_461 = arith.cmpi sge, %broadcast_in_dim3A_458, %ge3A_460 : vector<512x1xi32>
    %select_n3A_462 = arith.select %ge3A_461, %or3A_435, %select_n3A_432 : vector<512x1xi1>, vector<512x1xi32>
    %convert_element_type3A_463 = arith.trunci %select_n3A_462 : vector<512x1xi32> to vector<512x1xi16>
    %eq3A = vector.broadcast %convert_element_type3A_463 : vector<512x1xi16> to vector<512x1024xi16>
    %eq3A_464 = arith.cmpi eq, %convert_element_type3A, %eq3A : vector<512x1024xi16>
    %gt3A = vector.broadcast %convert_element_type3A_463 : vector<512x1xi16> to vector<512x1024xi16>
    %gt3A_465 = arith.cmpi sgt, %convert_element_type3A, %gt3A : vector<512x1024xi16>
    %convert_element_type3A_466 = arith.extui %gt3A_465 : vector<512x1024xi1> to vector<512x1024xi16>
    %slice3A_467 = vector.extract_strided_slice %convert_element_type3A_466 {offsets = [0, 0], sizes = [512, 128], strides = [1, 1]} : vector<512x1024xi16> to vector<512x128xi16>
    %slice3A_468 = vector.extract_strided_slice %convert_element_type3A_466 {offsets = [0, 128], sizes = [512, 128], strides = [1, 1]} : vector<512x1024xi16> to vector<512x128xi16>
    %add3A_469 = arith.addi %slice3A_467, %slice3A_468 : vector<512x128xi16>
    %slice3A_470 = vector.extract_strided_slice %convert_element_type3A_466 {offsets = [0, 256], sizes = [512, 128], strides = [1, 1]} : vector<512x1024xi16> to vector<512x128xi16>
    %add3A_471 = arith.addi %add3A_469, %slice3A_470 : vector<512x128xi16>
    %slice3A_472 = vector.extract_strided_slice %convert_element_type3A_466 {offsets = [0, 384], sizes = [512, 128], strides = [1, 1]} : vector<512x1024xi16> to vector<512x128xi16>
    %add3A_473 = arith.addi %add3A_471, %slice3A_472 : vector<512x128xi16>
    %slice3A_474 = vector.extract_strided_slice %convert_element_type3A_466 {offsets = [0, 512], sizes = [512, 128], strides = [1, 1]} : vector<512x1024xi16> to vector<512x128xi16>
    %add3A_475 = arith.addi %add3A_473, %slice3A_474 : vector<512x128xi16>
    %slice3A_476 = vector.extract_strided_slice %convert_element_type3A_466 {offsets = [0, 640], sizes = [512, 128], strides = [1, 1]} : vector<512x1024xi16> to vector<512x128xi16>
    %add3A_477 = arith.addi %add3A_475, %slice3A_476 : vector<512x128xi16>
    %slice3A_478 = vector.extract_strided_slice %convert_element_type3A_466 {offsets = [0, 768], sizes = [512, 128], strides = [1, 1]} : vector<512x1024xi16> to vector<512x128xi16>
    %add3A_479 = arith.addi %add3A_477, %slice3A_478 : vector<512x128xi16>
    %slice3A_480 = vector.extract_strided_slice %convert_element_type3A_466 {offsets = [0, 896], sizes = [512, 128], strides = [1, 1]} : vector<512x1024xi16> to vector<512x128xi16>
    %add3A_481 = arith.addi %add3A_479, %slice3A_480 : vector<512x128xi16>
    %convert_element_type3A_482 = arith.extsi %add3A_481 : vector<512x128xi16> to vector<512x128xi32>
    %reduce_sum3A_483 = arith.constant dense<0> : vector<512xi32>
    %reduce_sum3A_484 = vector.multi_reduction <add>, %convert_element_type3A_482, %reduce_sum3A_483 [1] : vector<512x128xi32> to vector<512xi32>
    %broadcast_in_dim3A_485 = vector.shape_cast %reduce_sum3A_484 : vector<512xi32> to vector<512x1xi32>
    %sub3A = arith.constant 512 : i32
    %sub3A_486 = vector.broadcast %sub3A : i32 to vector<512x1xi32>
    %sub3A_487 = arith.subi %sub3A_486, %broadcast_in_dim3A_485 : vector<512x1xi32>
    %convert_element_type3A_488 = arith.trunci %bitcast_convert_type3A : vector<512x1024xi32> to vector<512x1024xi16>
    %xor3A = arith.constant -32768 : i16
    %xor3A_489 = vector.broadcast %xor3A : i16 to vector<512x1024xi16>
    %xor3A_490 = arith.xori %convert_element_type3A_488, %xor3A_489 : vector<512x1024xi16>
    %jit3A = arith.constant -32768 : i16
    %broadcast_in_dim3A_491 = vector.broadcast %jit3A : i16 to vector<512x1024xi16>
    %select_n3A_492 = arith.select %eq3A_464, %xor3A_490, %broadcast_in_dim3A_491 : vector<512x1024xi1>, vector<512x1024xi16>
    %broadcast_in_dim3A_493 = arith.constant 0 : i32
    %broadcast_in_dim3A_494 = vector.broadcast %broadcast_in_dim3A_493 : i32 to vector<512x1xi32>
    %or3A_495 = arith.constant 32768 : i32
    %or3A_496 = vector.broadcast %or3A_495 : i32 to vector<512x1xi32>
    %or3A_497 = arith.ori %broadcast_in_dim3A_494, %or3A_496 : vector<512x1xi32>
    %sub3A_498 = arith.constant 32768 : i32
    %sub3A_499 = vector.broadcast %sub3A_498 : i32 to vector<512x1xi32>
    %sub3A_500 = arith.subi %or3A_497, %sub3A_499 : vector<512x1xi32>
    %convert_element_type3A_501 = arith.trunci %sub3A_500 : vector<512x1xi32> to vector<512x1xi16>
    %ge3A_502 = vector.broadcast %convert_element_type3A_501 : vector<512x1xi16> to vector<512x1024xi16>
    %ge3A_503 = arith.cmpi sge, %select_n3A_492, %ge3A_502 : vector<512x1024xi16>
    %convert_element_type3A_504 = arith.extui %ge3A_503 : vector<512x1024xi1> to vector<512x1024xi16>
    %slice3A_505 = vector.extract_strided_slice %convert_element_type3A_504 {offsets = [0, 0], sizes = [512, 128], strides = [1, 1]} : vector<512x1024xi16> to vector<512x128xi16>
    %slice3A_506 = vector.extract_strided_slice %convert_element_type3A_504 {offsets = [0, 128], sizes = [512, 128], strides = [1, 1]} : vector<512x1024xi16> to vector<512x128xi16>
    %add3A_507 = arith.addi %slice3A_505, %slice3A_506 : vector<512x128xi16>
    %slice3A_508 = vector.extract_strided_slice %convert_element_type3A_504 {offsets = [0, 256], sizes = [512, 128], strides = [1, 1]} : vector<512x1024xi16> to vector<512x128xi16>
    %add3A_509 = arith.addi %add3A_507, %slice3A_508 : vector<512x128xi16>
    %slice3A_510 = vector.extract_strided_slice %convert_element_type3A_504 {offsets = [0, 384], sizes = [512, 128], strides = [1, 1]} : vector<512x1024xi16> to vector<512x128xi16>
    %add3A_511 = arith.addi %add3A_509, %slice3A_510 : vector<512x128xi16>
    %slice3A_512 = vector.extract_strided_slice %convert_element_type3A_504 {offsets = [0, 512], sizes = [512, 128], strides = [1, 1]} : vector<512x1024xi16> to vector<512x128xi16>
    %add3A_513 = arith.addi %add3A_511, %slice3A_512 : vector<512x128xi16>
    %slice3A_514 = vector.extract_strided_slice %convert_element_type3A_504 {offsets = [0, 640], sizes = [512, 128], strides = [1, 1]} : vector<512x1024xi16> to vector<512x128xi16>
    %add3A_515 = arith.addi %add3A_513, %slice3A_514 : vector<512x128xi16>
    %slice3A_516 = vector.extract_strided_slice %convert_element_type3A_504 {offsets = [0, 768], sizes = [512, 128], strides = [1, 1]} : vector<512x1024xi16> to vector<512x128xi16>
    %add3A_517 = arith.addi %add3A_515, %slice3A_516 : vector<512x128xi16>
    %slice3A_518 = vector.extract_strided_slice %convert_element_type3A_504 {offsets = [0, 896], sizes = [512, 128], strides = [1, 1]} : vector<512x1024xi16> to vector<512x128xi16>
    %add3A_519 = arith.addi %add3A_517, %slice3A_518 : vector<512x128xi16>
    %convert_element_type3A_520 = arith.extsi %add3A_519 : vector<512x128xi16> to vector<512x128xi32>
    %reduce_sum3A_521 = arith.constant dense<0> : vector<512xi32>
    %reduce_sum3A_522 = vector.multi_reduction <add>, %convert_element_type3A_520, %reduce_sum3A_521 [1] : vector<512x128xi32> to vector<512xi32>
    %broadcast_in_dim3A_523 = vector.shape_cast %reduce_sum3A_522 : vector<512xi32> to vector<512x1xi32>
    %ge3A_524 = arith.cmpi sge, %broadcast_in_dim3A_523, %sub3A_487 : vector<512x1xi32>
    %select_n3A_525 = arith.select %ge3A_524, %or3A_497, %broadcast_in_dim3A_494 : vector<512x1xi1>, vector<512x1xi32>
    %or3A_526 = arith.constant 16384 : i32
    %or3A_527 = vector.broadcast %or3A_526 : i32 to vector<512x1xi32>
    %or3A_528 = arith.ori %select_n3A_525, %or3A_527 : vector<512x1xi32>
    %sub3A_529 = arith.constant 32768 : i32
    %sub3A_530 = vector.broadcast %sub3A_529 : i32 to vector<512x1xi32>
    %sub3A_531 = arith.subi %or3A_528, %sub3A_530 : vector<512x1xi32>
    %convert_element_type3A_532 = arith.trunci %sub3A_531 : vector<512x1xi32> to vector<512x1xi16>
    %ge3A_533 = vector.broadcast %convert_element_type3A_532 : vector<512x1xi16> to vector<512x1024xi16>
    %ge3A_534 = arith.cmpi sge, %select_n3A_492, %ge3A_533 : vector<512x1024xi16>
    %convert_element_type3A_535 = arith.extui %ge3A_534 : vector<512x1024xi1> to vector<512x1024xi16>
    %slice3A_536 = vector.extract_strided_slice %convert_element_type3A_535 {offsets = [0, 0], sizes = [512, 128], strides = [1, 1]} : vector<512x1024xi16> to vector<512x128xi16>
    %slice3A_537 = vector.extract_strided_slice %convert_element_type3A_535 {offsets = [0, 128], sizes = [512, 128], strides = [1, 1]} : vector<512x1024xi16> to vector<512x128xi16>
    %add3A_538 = arith.addi %slice3A_536, %slice3A_537 : vector<512x128xi16>
    %slice3A_539 = vector.extract_strided_slice %convert_element_type3A_535 {offsets = [0, 256], sizes = [512, 128], strides = [1, 1]} : vector<512x1024xi16> to vector<512x128xi16>
    %add3A_540 = arith.addi %add3A_538, %slice3A_539 : vector<512x128xi16>
    %slice3A_541 = vector.extract_strided_slice %convert_element_type3A_535 {offsets = [0, 384], sizes = [512, 128], strides = [1, 1]} : vector<512x1024xi16> to vector<512x128xi16>
    %add3A_542 = arith.addi %add3A_540, %slice3A_541 : vector<512x128xi16>
    %slice3A_543 = vector.extract_strided_slice %convert_element_type3A_535 {offsets = [0, 512], sizes = [512, 128], strides = [1, 1]} : vector<512x1024xi16> to vector<512x128xi16>
    %add3A_544 = arith.addi %add3A_542, %slice3A_543 : vector<512x128xi16>
    %slice3A_545 = vector.extract_strided_slice %convert_element_type3A_535 {offsets = [0, 640], sizes = [512, 128], strides = [1, 1]} : vector<512x1024xi16> to vector<512x128xi16>
    %add3A_546 = arith.addi %add3A_544, %slice3A_545 : vector<512x128xi16>
    %slice3A_547 = vector.extract_strided_slice %convert_element_type3A_535 {offsets = [0, 768], sizes = [512, 128], strides = [1, 1]} : vector<512x1024xi16> to vector<512x128xi16>
    %add3A_548 = arith.addi %add3A_546, %slice3A_547 : vector<512x128xi16>
    %slice3A_549 = vector.extract_strided_slice %convert_element_type3A_535 {offsets = [0, 896], sizes = [512, 128], strides = [1, 1]} : vector<512x1024xi16> to vector<512x128xi16>
    %add3A_550 = arith.addi %add3A_548, %slice3A_549 : vector<512x128xi16>
    %convert_element_type3A_551 = arith.extsi %add3A_550 : vector<512x128xi16> to vector<512x128xi32>
    %reduce_sum3A_552 = arith.constant dense<0> : vector<512xi32>
    %reduce_sum3A_553 = vector.multi_reduction <add>, %convert_element_type3A_551, %reduce_sum3A_552 [1] : vector<512x128xi32> to vector<512xi32>
    %broadcast_in_dim3A_554 = vector.shape_cast %reduce_sum3A_553 : vector<512xi32> to vector<512x1xi32>
    %ge3A_555 = arith.cmpi sge, %broadcast_in_dim3A_554, %sub3A_487 : vector<512x1xi32>
    %select_n3A_556 = arith.select %ge3A_555, %or3A_528, %select_n3A_525 : vector<512x1xi1>, vector<512x1xi32>
    %or3A_557 = arith.constant 8192 : i32
    %or3A_558 = vector.broadcast %or3A_557 : i32 to vector<512x1xi32>
    %or3A_559 = arith.ori %select_n3A_556, %or3A_558 : vector<512x1xi32>
    %sub3A_560 = arith.constant 32768 : i32
    %sub3A_561 = vector.broadcast %sub3A_560 : i32 to vector<512x1xi32>
    %sub3A_562 = arith.subi %or3A_559, %sub3A_561 : vector<512x1xi32>
    %convert_element_type3A_563 = arith.trunci %sub3A_562 : vector<512x1xi32> to vector<512x1xi16>
    %ge3A_564 = vector.broadcast %convert_element_type3A_563 : vector<512x1xi16> to vector<512x1024xi16>
    %ge3A_565 = arith.cmpi sge, %select_n3A_492, %ge3A_564 : vector<512x1024xi16>
    %convert_element_type3A_566 = arith.extui %ge3A_565 : vector<512x1024xi1> to vector<512x1024xi16>
    %slice3A_567 = vector.extract_strided_slice %convert_element_type3A_566 {offsets = [0, 0], sizes = [512, 128], strides = [1, 1]} : vector<512x1024xi16> to vector<512x128xi16>
    %slice3A_568 = vector.extract_strided_slice %convert_element_type3A_566 {offsets = [0, 128], sizes = [512, 128], strides = [1, 1]} : vector<512x1024xi16> to vector<512x128xi16>
    %add3A_569 = arith.addi %slice3A_567, %slice3A_568 : vector<512x128xi16>
    %slice3A_570 = vector.extract_strided_slice %convert_element_type3A_566 {offsets = [0, 256], sizes = [512, 128], strides = [1, 1]} : vector<512x1024xi16> to vector<512x128xi16>
    %add3A_571 = arith.addi %add3A_569, %slice3A_570 : vector<512x128xi16>
    %slice3A_572 = vector.extract_strided_slice %convert_element_type3A_566 {offsets = [0, 384], sizes = [512, 128], strides = [1, 1]} : vector<512x1024xi16> to vector<512x128xi16>
    %add3A_573 = arith.addi %add3A_571, %slice3A_572 : vector<512x128xi16>
    %slice3A_574 = vector.extract_strided_slice %convert_element_type3A_566 {offsets = [0, 512], sizes = [512, 128], strides = [1, 1]} : vector<512x1024xi16> to vector<512x128xi16>
    %add3A_575 = arith.addi %add3A_573, %slice3A_574 : vector<512x128xi16>
    %slice3A_576 = vector.extract_strided_slice %convert_element_type3A_566 {offsets = [0, 640], sizes = [512, 128], strides = [1, 1]} : vector<512x1024xi16> to vector<512x128xi16>
    %add3A_577 = arith.addi %add3A_575, %slice3A_576 : vector<512x128xi16>
    %slice3A_578 = vector.extract_strided_slice %convert_element_type3A_566 {offsets = [0, 768], sizes = [512, 128], strides = [1, 1]} : vector<512x1024xi16> to vector<512x128xi16>
    %add3A_579 = arith.addi %add3A_577, %slice3A_578 : vector<512x128xi16>
    %slice3A_580 = vector.extract_strided_slice %convert_element_type3A_566 {offsets = [0, 896], sizes = [512, 128], strides = [1, 1]} : vector<512x1024xi16> to vector<512x128xi16>
    %add3A_581 = arith.addi %add3A_579, %slice3A_580 : vector<512x128xi16>
    %convert_element_type3A_582 = arith.extsi %add3A_581 : vector<512x128xi16> to vector<512x128xi32>
    %reduce_sum3A_583 = arith.constant dense<0> : vector<512xi32>
    %reduce_sum3A_584 = vector.multi_reduction <add>, %convert_element_type3A_582, %reduce_sum3A_583 [1] : vector<512x128xi32> to vector<512xi32>
    %broadcast_in_dim3A_585 = vector.shape_cast %reduce_sum3A_584 : vector<512xi32> to vector<512x1xi32>
    %ge3A_586 = arith.cmpi sge, %broadcast_in_dim3A_585, %sub3A_487 : vector<512x1xi32>
    %select_n3A_587 = arith.select %ge3A_586, %or3A_559, %select_n3A_556 : vector<512x1xi1>, vector<512x1xi32>
    %shift_left3A = arith.constant 16 : i32
    %shift_left3A_588 = vector.broadcast %shift_left3A : i32 to vector<512x1xi32>
    %shift_left3A_589 = arith.shli %select_n3A_462, %shift_left3A_588 : vector<512x1xi32>
    %or3A_590 = arith.ori %shift_left3A_589, %select_n3A_587 : vector<512x1xi32>
    %ge3A_591 = vector.broadcast %or3A_590 : vector<512x1xi32> to vector<512x1024xi32>
    %ge3A_592 = arith.cmpi sge, %bitcast_convert_type3A, %ge3A_591 : vector<512x1024xi32>
    %jit3A_593 = arith.constant 0.000000e+00 : f32
    %broadcast_in_dim3A_594 = vector.broadcast %jit3A_593 : f32 to vector<512x1024xf32>
    %select_n3A_595 = arith.select %ge3A_592, %mul3A_14, %broadcast_in_dim3A_594 : vector<512x1024xi1>, vector<512x1024xf32>
    %swap3A = arith.constant 0 : index
    %swap3A_596 = arith.constant 0 : index
    %swap3A_597 = vector.load %arg5[%swap3A, %swap3A_596] : memref<512x1024xf32, #tpu.memory_space<vmem>>, vector<512x1024xf32>
    tpu.vector_store %arg5[%swap3A, %swap3A_596], %select_n3A_595 {strides = array<i32>} : memref<512x1024xf32, #tpu.memory_space<vmem>>, vector<512x1024xf32>,
    return
  }
  func.func @transform_0(%arg0: i32, %arg1: i32) -> (i32, i32) {
    %c0_i32 = arith.constant 0 : i32
    %c0_i32_0 = arith.constant 0 : i32
    return %arg1, %c0_i32 : i32, i32
  }
  func.func @transform_1(%arg0: i32, %arg1: i32) -> (i32, i32, i32) {
    %c0_i32 = arith.constant 0 : i32
    %c0_i32_0 = arith.constant 0 : i32
    %c0_i32_1 = arith.constant 0 : i32
    return %arg0, %c0_i32, %c0_i32_0 : i32, i32, i32
  }
  func.func @transform_2(%arg0: i32, %arg1: i32) -> (i32, i32, i32) {
    %c0_i32 = arith.constant 0 : i32
    %c0_i32_0 = arith.constant 0 : i32
    %c0_i32_1 = arith.constant 0 : i32
    return %arg0, %c0_i32, %c0_i32_0 : i32, i32, i32
  }
  func.func @transform_3(%arg0: i32, %arg1: i32) -> (i32, i32) {
    %c0_i32 = arith.constant 0 : i32
    return %arg1, %arg0 : i32, i32
  }
}

</mosaic_0001>

<sc_bundles>
// kernel: sparse-core-data-format-call.cloned.1.call-start
scs
called_computation_lowered:
.L_overlay_start_0:
0x0: {  	s2 =	sld [smem:$0x3FD9]  }
0x1: {  	s3 =	sld [smem:$0x3FFE];
	_ =	sdelay $0x1  }
0x2: {  	s1 =	srdreg.scid  }
0x3: {  	s0 =	sand.u32 $0x1, s1  }
0x4: {  	s18 =	sshll.u32 s0, $0xA;
	s2 =	sadd.s32 s3, s2  }
0x5: {  	s2 =	sadd.s32 s2, s18  }
0x6: {  	[smem:$0x3FC5] =	sst s2  }
0x7: {  	_ = 	snop  }
0x8: {  	s2 =	sld [smem:$0x3FD0];
	(tm) =	ssettm $0x1  }
0x9: {  	s19 =	sld [smem:$0x3FFB];
	_ =	sdelay $0x3  }
0xa: {  	_ =	strace s19  }
0xb: {  	s3 =	sld [smem:$0x3FFC];
	_ =	sdelay $0x3  }
0xc: {  	_ =	strace s3  }
0xd: {  	s3 =	sld [smem:$0x3FFD];
	_ =	sdelay $0x3  }
0xe: {  	_ =	strace s3  }
0xf: {  	_ =	strace $0x8FFFFFFF  }
0x10: {  	s20 =	sld [smem:$0x3FDB];
	_ =	sdelay $0x1  }
0x11: {  	s4 =	simm.s32 $_scs_section_size  }
0x12: {  	s5 =	simm.s32 $_size__tile_overlayer_lowered;
	s6 =	simm.s32 $_tile_overlayer_lowered  }
0x13: {  	s23 =	simm.s32 $0x1BFF;
	s22 =	sshll.u32 s6, $0x1;
	s3 =	sadd.s32 s4, s20  }
0x14: {  	s7 =	simm.s32 $0x0;
	s21 =	sshll.u32 s5, $0x1;
	s5 =	sadd.s32 s22, s3  }
0x15: {  	[timem:s7], [sflag:s23] =	dma.local [hbm:s5], s21  }
0x16: {  	_ =	swait.ge [sflag:s23], s21  }
0x17: {  	s4 =	ssub.s32 $0x0, s21;
	[sflag:s23] =	ssyncset.done $0x0  }
0x18: {  	[sflag:s23] =	ssyncadd.s32 s4;
	_ =	sdelay $0x1  }
0x19: {  	s24 =	simm.s32 $0x1B8B  }
0x1a: {  	_ =	swait.ge [sflag:s24], $0x1  }
0x1b: {  	[sflag:s24] =	ssyncset.done $0x0  }
0x1c: {  	s26 =	simm.s32 $0x1B8E;
	s25 =	sld [smem:$0x3FFE];
	[sflag:s24] =	ssyncadd.s32 $0xFFFFFFFF  }
0x1d: {  	s27 =	simm.s32 $execute0_lowered;
	[smem:$0x3FD2] =	sst s26  }
0x1e: {  	s5 =	sshll.u32 s27, $0x1;
	_ =	strace $0x80000046;
	[dreg:$0x1] =	wrdreg $0xFFFFFFFF  }
0x1f: {  	s28 =	simm.s32 $_size_execute0_lowered;
	s3 =	sadd.s32 s3, s5;
	[dreg:$0x0] =	wrdreg $0x0  }
0x20: {  	s5 =	sshll.u32 s28, $0x1;
	[dreg:$0x2] =	wrdreg s3  }
0x21: {  	[dreg:$0x3] =	wrdreg s5  }
0x22: {  	[dreg:$0x4] =	wrdreg $0xC0  }
0x23: {  	_ =	task [dreg:s7], $0x5FFFF  }
0x24: {  	[dreg:$0x1] =	wrdreg $0xFFFFFFFF  }
0x25: {  	[dreg:$0x0] =	wrdreg $0x60  }
0x26: {  	[dreg:$0x2] =	wrdreg s25  }
0x27: {  	[dreg:$0x3] =	wrdreg s2  }
0x28: {  	[dreg:$0x4] =	wrdreg $0x9  }
0x29: {  	_ =	task.clear_ibuf [dreg:s7], $0x5FFFF;
	_ =	strace $0x90000046  }
0x2a: {  	s29 =	simm.s32 $0x9;
	_ =	strace $0x80000048  }
0x2b: {  	_ =	swait.ge [sflag:s29], $0x1  }
0x2c: {  	[sflag:s29] =	ssyncadd.s32 $0xFFFFFFFF  }
0x2d: {  	_ =	strace $0x90000048  }
0x2e: {  	_ =	sfence  }
0x2f: {  	s30 =	sld [smem:$0x0];
	_ =	sdelay $0x2  }
0x30: {  	s31 =	sshll.u32 s1, $0xD;
	s1 =	sshrl.u32 s1, $0x2  }
0x31: {  	s3 =	sand.u32 $0x4000, s31;
	s1 =	sadd.s32 s1, s30  }
0x32: {  	s0 =	sor.u32 s3, s0;
	s1 =	sshll.u32 s1, $0x11  }
0x33: {  	s0 =	sor.u32 s1, s0  }
0x34: {  	s0 =	sadd.s32 $0x8F2B, s0  }
0x35: {  	[sflag:s0] =	ssyncadd.remote.s32 $0x1  }
0x36: {  	_ =	sfence.sel $0xFFFF  }
0x37: {  	[dreg:$0x0] =	wrdreg $0xFFFFFFFF;
	(pc) =	sbr.abs _section_cstart, $3  }
0x38: {  	[dreg:$0x1] =	wrdreg $0xFFFFFFFF  }
0x39: {  	_ =	task.clear_ibuf [dreg:s7], $0x2FFFF;
	_ =	strace $0x9FFFFFFF  }
0x3a: {  	(tm) =	ssettm $0x7FFFFFFF  }
0x3b: {  	_ =	shalt  }
tec
execute0_lowered:
.L_overlay_start_1:
0x0: {  	(tag) =	ssettag $0x1  }
0x1: {  	s1 =	rddreg [dreg:$0x0]  }
0x2: {  	s2 =	rddreg [dreg:$0x1]  }
0x3: {  	s0 =	rddreg [dreg:$0x2]  }
0x4: {  	_ =	strace $0x80000047;
	s4 =	srdreg.scid;
	s6 =	simm.s32 $0x2  }
0x5: {  	s12 =	simm.s32 $0x0;
	p0 =	por $0x0, $0x0;
	s13 =	simm.s32 $0x0  }
0x6: {  	s15 =	simm.s32 $0x0;
	s14 =	simm.s32 $0x0;
	s8 =	simm.s32 $0x0  }
.Ltmp0:
0x7: {  	s9 =	simm.s32 $0x0;
	s10 =	simm.s32 $0x0;
	(pc) =	sbr.rel .LBB1_1-.Ltmp0, $4  }
0x8: {  	s7 =	simm.s32 $0x0;
	s3 =	sadd.s32 $0x600, s1;
	s5 =	sshll.u32 s4, $0x4  }
0x9: {  	s1 =	stileid.u32;
	s4 =	simm.s32 $0x1;
	s5 =	sand.u32 $0x10, s5  }
0xa: {  	s21 =	simm.s32 $0x0;
	[sflag:s4] =	ssyncpa.u1 $0x0;
	s5 =	sor.u32 s1, s5  }
0xb: {  	[sflag:s6] =	ssyncpa.u1 $0x0;
	s6 =	simm.s32 $0x4000;
	s11 =	smov.u32 s5  }
.LBB1_7:
0xc: {  	s16 =	sadd.s32 $0x100, s8  }
0xd: {  	s12 =	sadd.s32 $0x8, s9;
	s17 =	smov.u32 s9;
	p2 =	sgt.s32 s16, $0x3FF  }
0xe: {  	s17 =	smov.u32 @p2 s12  }
0xf: {  	s18 =	smov.u32 s10;
	s12 =	sadd.s32 $0x8, s10;
	p3 =	sgt.s32 s17, $0x7  }
0x10: {  	s18 =	smov.u32 @p3 s12  }
0x11: {  	s19 =	smov.u32 s11;
	s12 =	sadd.s32 $0x20, s11;
	p4 =	sgt.s32 s18, $0xF  }
0x12: {  	p1 =	slt.u32 s7, $0x2;
	s19 =	smov.u32 @p4 s12  }
0x13: {  	s7 =	sadd.s32 $0x1, s7;
	s16 =	simm.s32 @p2 $0x0;
	p2 =	sgt.s32 s19, $0x1FF  }
0x14: {  	s20 =	simm.s32 @!p1 $0x2;
	s19 =	smov.u32 @p2 s5;
	p2 =	sne.s32 s7, $0x82  }
.Ltmp1:
0x15: {  	s13 =	smov.u32 s9;
	_ =	swait.ge @!p1 [sflag:s20], $0x4000;
	(pc) =	sbr.rel @!p2 .LBB1_8-.Ltmp1, $4  }
0x16: {  	s15 =	smov.u32 s10;
	s14 =	smov.u32 s11;
	[sflag:s20] =	ssyncset.done @!p1 $0x0  }
0x17: {  	p0 =	por !p0, !p0;
	s17 =	simm.s32 @p3 $0x0;
	[sflag:s20] =	ssyncadd.s32 @!p1 $0xFFFFC000  }
0x18: {  	s9 =	smov.u32 s17;
	s18 =	simm.s32 @p4 $0x0;
	s12 =	smov.u32 s8  }
0x19: {  	s8 =	smov.u32 s16;
	s10 =	smov.u32 s18;
	s11 =	smov.u32 s19  }
.LBB1_1:
0x1a: {  	p1 =	sgt.u32 s7, $0x7F  }
0x1b: {  	s16 =	sxor.u32 @!p1 $0xFFFFFFFF, s7  }
0x1c: {  	s17 =	sshll.u32 @!p1 s9, $0x7;
	s18 =	sand.u32 @!p1 $0x78, s8;
	s19 =	sshll.u32 @!p1 s11, $0xE  }
0x1d: {  	s20 =	sand.u32 @!p1 $0x380, s8;
	s16 =	sshll.u32 @!p1 s16, $0xE;
	s17 =	sand.u32 @!p1 $0x380, s17  }
0x1e: {  	s19 =	sadd.s32 @!p1 s3, s19;
	s17 =	sor.u32 @!p1 s18, s17;
	s18 =	sshll.u32 @!p1 s10, $0xA  }
0x1f: {  	s16 =	sand.u32 @!p1 $0x4000, s16;
	s18 =	sadd.s32 @!p1 s18, s19;
	s19 =	sand.u32 @!p1 $0x7, s8  }
0x20: {  	s17 =	sshrl.u32 @!p1 s17, $0x3;
	s18 =	sadd.s32 @!p1 s20, s18;
	s19 =	sshll.u32 @!p1 s19, $0x12  }
0x21: {  	s17 =	sadd.s32 @!p1 s17, s18;
	s18 =	sor.u32 @!p1 $0x800, s19;
	s19 =	simm.s32 @!p1 $0x2000  }
0x22: {  	[tilespmem:s16], [sflag:$0x1] =	stream.strided.gather @!p1 [hbm4b:s17+s18], $0x4000, s19, s18, $0x38;
	[tilespmem:$0x10000] =	vst v63  }
0x23: {  	p1 =	seq.s32 s7, $0x0  }
0x24: {  	p2 =	seq.s32 @!p1 s7, $0x81  }
0x25: {  	p1 =	por p1, p2  }
.Ltmp2:
0x26: {  	_ = 	snop;
	(pc) =	sbr.rel @p1 .LBB1_7-.Ltmp2, $1  }
0x27: {  	_ =	sdelay $0x3  }
0x28: {  	s16 =	simm.s32 $0x1  }
0x29: {  	_ =	swait.ge [sflag:s4], $0x4000;
	s31 =	sshll.u32 s7, $0xE;
	p1 =	por $0x0, $0x0  }
0x2a: {  	s22 =	simm.s32 $0x0;
	s23 =	simm.s32 $0x0;
	s16 =	simm.s32 @!p0 $0x0  }
0x2b: {  	[sflag:s4] =	ssyncset.done $0x0;
	s19 =	sand.u32 $0x4000, s31;
	s16 =	sshll.u32 s16, $0x10  }
0x2c: {  	[sflag:s4] =	ssyncadd.s32 $0xFFFFC000;
	s20 =	sshrl.u32 s16, $0x2;
	s16 =	sor.u32 $0x8000, s19  }
0x2d: {  	s17 =	sor.u32 $0x40, s20;
	s18 =	sor.u32 $0x8410, s20;
	s20 =	sadd.s32 $0x8400, s20  }
.LBB1_3:
0x2e: {  	v1 =	vld [tilespmem:s17+$0xFFFFFFD0]  }
0x2f: {  	v2 =	vld [tilespmem:s17+$0x430]  }
0x30: {  	s24 =	sshll.u32 s23, $0xB;
	v4 =	vld [tilespmem:s17+$0xFFFFFFE0]  }
0x31: {  	v7 =	vld [tilespmem:s17+$0xFFFFFFF0];
	v0 =	vmov s24  }
0x32: {  	v8 =	vld [tilespmem:s17+$0x0]  }
0x33: {  	s30 =	sand.u32 $0x300, s21;
	v9 =	vld [tilespmem:s17+$0x10]  }
0x34: {  	s25 =	sand.u32 $0x80, s21;
	v10 =	vld [tilespmem:s17+$0x20];
	s24 =	sadd.s32 s30, s19  }
0x35: {  	v11 =	vld [tilespmem:s17+$0x30];
	s24 =	sadd.s32 s25, s24;
	s25 =	simm.s32 $0x1;
	[tilespmem:s18+$0x60] =	vst v2  }
0x36: {  	s31 =	sshll.u32 s22, $0x2;
	s25 =	simm.s32 @!p1 $0x0;
	[tilespmem:s18+$0xFFFFFC00] =	vst v1;
	v3 =	vld.idx.msk [tilespmem:v0+s24+$0x400 ss:$0x1], $0xffff  }
0x37: {  	v6 =	vld [tilespmem:s17+$0x3D0];
	s25 =	sshll.u32 s25, $0x9;
	[tilespmem:s18+$0xFFFFFC10] =	vst v4;
	s24 =	sand.u32 $0xFFFFFC00, s31  }
0x38: {  	v5 =	vld [tilespmem:s17+$0x3E0];
	[tilespmem:s18+$0xFFFFFC20] =	vst v7;
	s24 =	sor.u32 s25, s24  }
0x39: {  	[tilespmem:s18+$0xFFFFFC30] =	vst v8;
	v4 =	vld [tilespmem:s17+$0x400];
	s24 =	sshrl.u32 s24, $0x2  }
0x3a: {  	[tilespmem:s18+$0xFFFFFC40] =	vst v9;
	v1 =	vld [tilespmem:s17+$0x410];
	s24 =	sadd.s32 s24, s20  }
0x3b: {  	[tilespmem:s24+$0x0] =	vst v3;
	v3 =	vld [tilespmem:s17+$0x3F0]  }
0x3c: {  	s28 =	simm.s32 $0x80;
	s27 =	simm.s32 $0x100;
	[tilespmem:s18+$0xFFFFFC50] =	vst v10;
	v2 =	vld [tilespmem:s17+$0x420]  }
0x3d: {  	s26 =	smov.u32 s18;
	s29 =	sand.u32 $0x300, s28;
	v7 =	vld [tilespmem:s17+$0xFFFFFFC0];
	[tilespmem:s18+$0xFFFFFC60] =	vst v11;
	s25 =	sadd.s32 $0x80, s17  }
.LBB1_4:
0x3e: {  	p2 =	sne.s32 s27, $0x380;
	v8 =	vld [tilespmem:s25+$0xFFFFFFD0];
	s28 =	sand.u32 $0x80, s28;
	s29 =	sadd.s32 s29, s19;
	[tilespmem:s26+$0x0] =	vst v6  }
0x3f: {  	s29 =	sadd.s32 s28, s29;
	v6 =	vld [tilespmem:s25+$0x430];
	[tilespmem:s26+$0x10] =	vst v5;
	s28 =	smov.u32 s27  }
0x40: {  	v5 =	vld.idx.msk [tilespmem:v0+s29+$0x400 ss:$0x1], $0xffff;
	[tilespmem:s26+$0x20] =	vst v3  }
0x41: {  	v3 =	vld [tilespmem:s25+$0xFFFFFFE0];
	[tilespmem:s26+$0x30] =	vst v4  }
0x42: {  	v4 =	vld [tilespmem:s25+$0xFFFFFFF0];
	[tilespmem:s26+$0xFFFFFBF0] =	vst v7  }
0x43: {  	v7 =	vld [tilespmem:s25+$0x0];
	[tilespmem:s26+$0x40] =	vst v1  }
0x44: {  	v1 =	vld [tilespmem:s25+$0x10];
	[tilespmem:s26+$0x50] =	vst v2;
	s26 =	sadd.s32 $0x800, s26  }
0x45: {  	s24 =	sadd.s32 $0x800, s24;
	v2 =	vld [tilespmem:s25+$0x20];
	[tilespmem:s26+$0x60] =	vst v6  }
0x46: {  	v9 =	vld [tilespmem:s25+$0x30];
	[tilespmem:s24+$0x0] =	vst v5  }
0x47: {  	[tilespmem:s26+$0xFFFFFC00] =	vst v8;
	v6 =	vld [tilespmem:s25+$0x3D0]  }
0x48: {  	[tilespmem:s26+$0xFFFFFC10] =	vst v3;
	v5 =	vld [tilespmem:s25+$0x3E0]  }
.Ltmp3:
0x49: {  	[tilespmem:s26+$0xFFFFFC20] =	vst v4;
	v3 =	vld [tilespmem:s25+$0x3F0];
	(pc) =	sbr.rel @p2 .LBB1_4-.Ltmp3, $4  }
0x4a: {  	[tilespmem:s26+$0xFFFFFC30] =	vst v7;
	v4 =	vld [tilespmem:s25+$0x400]  }
0x4b: {  	[tilespmem:s26+$0xFFFFFC40] =	vst v1;
	v1 =	vld [tilespmem:s25+$0x410]  }
0x4c: {  	[tilespmem:s26+$0xFFFFFC50] =	vst v2;
	v2 =	vld [tilespmem:s25+$0x420]  }
0x4d: {  	s27 =	sadd.s32 $0x80, s27;
	s29 =	sand.u32 $0x300, s28;
	v7 =	vld [tilespmem:s25+$0xFFFFFFC0];
	[tilespmem:s26+$0xFFFFFC60] =	vst v9;
	s25 =	sadd.s32 $0x80, s25  }
0x4e: {  	[tilespmem:s26+$0x0] =	vst v6  }
0x4f: {  	[tilespmem:s26+$0x10] =	vst v5  }
0x50: {  	v49 =	vld [tilespmem:s25+$0x430];
	[tilespmem:s26+$0x20] =	vst v3  }
0x51: {  	v50 =	vld [tilespmem:s25+$0xFFFFFFD0];
	[tilespmem:s26+$0x30] =	vst v4  }
0x52: {  	v51 =	vld [tilespmem:s25+$0xFFFFFFE0];
	[tilespmem:s26+$0x40] =	vst v1  }
0x53: {  	v52 =	vld [tilespmem:s25+$0xFFFFFFF0];
	[tilespmem:s26+$0x50] =	vst v2  }
0x54: {  	s31 =	sadd.s32 $0x800, s26;
	v53 =	vld [tilespmem:s25+$0x0];
	[tilespmem:s26+$0xFFFFFBF0] =	vst v7  }
0x55: {  	v54 =	vld [tilespmem:s25+$0x10];
	[tilespmem:s31+$0x60] =	vst v49  }
0x56: {  	v55 =	vld [tilespmem:s25+$0x20];
	[tilespmem:s31+$0xFFFFFC00] =	vst v50  }
0x57: {  	v56 =	vld [tilespmem:s25+$0x30];
	[tilespmem:s31+$0xFFFFFC10] =	vst v51  }
0x58: {  	v57 =	vld [tilespmem:s25+$0x3D0];
	[tilespmem:s31+$0xFFFFFC20] =	vst v52  }
0x59: {  	v58 =	vld [tilespmem:s25+$0x3E0];
	[tilespmem:s31+$0xFFFFFC30] =	vst v53  }
0x5a: {  	v59 =	vld [tilespmem:s25+$0x3F0];
	[tilespmem:s31+$0xFFFFFC40] =	vst v54  }
0x5b: {  	v60 =	vld [tilespmem:s25+$0x400];
	[tilespmem:s31+$0xFFFFFC50] =	vst v55  }
0x5c: {  	v61 =	vld [tilespmem:s25+$0xFFFFFFC0];
	[tilespmem:s31+$0xFFFFFC60] =	vst v56  }
0x5d: {  	s27 =	sand.u32 $0x80, s28;
	s30 =	sadd.s32 s29, s19;
	v62 =	vld [tilespmem:s25+$0x410];
	[tilespmem:s31+$0x0] =	vst v57  }
0x5e: {  	v63 =	vld [tilespmem:s25+$0x420];
	s23 =	sadd.s32 $0x1, s23;
	s27 =	sadd.s32 s27, s30;
	[tilespmem:s31+$0x10] =	vst v58  }
0x5f: {  	p2 =	sne.s32 s23, $0x8;
	v0 =	vld.idx.msk [tilespmem:v0+s27+$0x400 ss:$0x1], $0xffff;
	[tilespmem:s31+$0x20] =	vst v59  }
.Ltmp4:
0x60: {  	[tilespmem:s31+$0x30] =	vst v60;
	(pc) =	sbr.rel @p2 .LBB1_3-.Ltmp4, $4  }
0x61: {  	[tilespmem:s31+$0xFFFFFBF0] =	vst v61  }
0x62: {  	[tilespmem:s31+$0x40] =	vst v62  }
0x63: {  	s24 =	sadd.s32 $0x800, s24;
	s17 =	sadd.s32 $0x800, s17;
	[tilespmem:s31+$0x50] =	vst v63  }
0x64: {  	s22 =	sadd.s32 $0x80, s22;
	p1 =	por !p1, !p1;
	s18 =	sadd.s32 $0x80, s18;
	[tilespmem:s24+$0x0] =	vst v0  }
0x65: {  	s15 =	sshll.u32 s15, $0x7  }
0x66: {  	s17 =	sand.u32 $0x78, s12;
	s14 =	sshll.u32 s14, $0xE;
	s13 =	sshll.u32 s13, $0xB  }
0x67: {  	s30 =	sand.u32 $0x7, s12;
	s18 =	sand.u32 $0x380, s15;
	s15 =	sand.u32 $0x400, s15  }
.Ltmp5:
0x68: {  	s14 =	sadd.s32 s2, s14;
	s17 =	sor.u32 s18, s17;
	(pc) =	sbr.rel .LBB1_7-.Ltmp5, $4  }
0x69: {  	s15 =	sadd.s32 s12, s15;
	s13 =	sadd.s32 s13, s14;
	s17 =	sshrl.u32 s17, $0x3  }
0x6a: {  	s12 =	sshll.u32 s30, $0x12;
	s31 =	sand.u32 $0x780, s15;
	s13 =	sadd.s32 s17, s13  }
0x6b: {  	s12 =	sor.u32 $0x800, s12;
	s13 =	sadd.s32 s31, s13  }
0x6c: {  	[hbm4b:s13+s12] =	stream.strided.scatter [tilespmem:s16], [sflag:$0x2], $0x4000, s6, s12, $0x38;
	[tilespmem:$0x10000] =	vst v63  }
.LBB1_8:
0x6d: {  	_ =	sfence.sel $0x180000  }
0x6e: {  	s2 =	simm.s32 $0x1;
	[bflag:$0x0] =	sbarrier.arrive $0xFFFF  }
0x6f: {  	s31 =	simm.s32 $0x2;
	[sflag:s2] =	ssyncpa.u1 $0x1  }
0x70: {  	[sflag:s31] =	ssyncpa.u1 $0x1  }
0x71: {  	p0 =	sne.s32 s1, $0x0;
	_ =	strace $0x90000047  }
0x72: {  	s0 =	sadd.s32 @!p0 $0x100000, s0;
	[bflag:$0x2] =	sbarrier.arrive $0xFFFF  }
0x73: {  	[sflag:s0] =	ssyncadd.tile.s32 @!p0 $0x1;
	_ =	shalt  }
.Lfunc_end1:
_tile_overlayer_lowered:
.L_overlay_start_2:
0x74: {  	(tag) =	ssettag $0x2  }
0x75: {  	s0 =	rddreg [dreg:$0x0];
	s2 =	stileid.u32  }
0x76: {  	s1 =	rddreg [dreg:$0x1];
	p0 =	sne.s32 s2, $0x0  }
0x77: {  	s3 =	rddreg [dreg:$0x2];
	[bflag:$0x3] =	sbarrier.arrive $0xFFFF;
	s2 =	simm.s32 @!p0 $0x1C01  }
0x78: {  	[timem:s3], [sflag:s2] =	dma.local @!p0 [hbm:s0], s1  }
0x79: {  	s0 =	simm.s32 @!p0 $0x1  }
0x7a: {  	_ =	swait.ge @!p0 [sflag:s0], s1  }
0x7b: {  	s1 =	ssub.s32 @!p0 $0x0, s1;
	[sflag:s0] =	ssyncset.done @!p0 $0x0  }
0x7c: {  	[sflag:s0] =	ssyncadd.s32 @!p0 s1  }
0x7d: {  	[bflag:$0x3] =	sbarrier.arrive $0xFFFF  }
0x7e: {  	_ =	shalt  }

</sc_bundles>
